<compile_context>
chip_gen: v7x
topology: tpu7x:2x2x1
jax: 0.10.2.dev20260603
libtpu: 0.0.44.dev20260713+nightly
codegen_flags: <defaults>
</compile_context>

<pallas_src>
import functools

import jax
import jax.numpy as jnp
from jax import lax
from jax.experimental import pallas as pl
from jax.experimental.pallas import tpu as pltpu
from jax.experimental.pallas import tpu_sc as plsc

B = 4096
F = 26
D = 32
NC, NS = 2, 16
NW = NC * NS
ROWS_W = B // NW
NROW = 1000000


@functools.partial(
    pl.kernel,
    out_type=jax.ShapeDtypeStruct((B, D), jnp.float32),
    mesh=plsc.VectorSubcoreMesh(core_axis_name="c", subcore_axis_name="s"),
    scratch_types=[
        pltpu.VMEM((F, ROWS_W), jnp.int32),
        pltpu.VMEM((ROWS_W, D), jnp.float32),
        pltpu.SemaphoreType.DMA,
    ],
    compiler_params=pltpu.CompilerParams(use_tc_tiling_on_sc=False),
)
def _field_embed(xt_hbm, table_hbm, out_hbm, idx_v, acc_v, sem):
    wid = lax.axis_index("s") * NC + lax.axis_index("c")
    base = wid * ROWS_W
    pltpu.sync_copy(xt_hbm.at[:, pl.ds(base, ROWS_W)], idx_v)
    zeros = jnp.zeros((16,), jnp.float32)

    def zrow(r, carry):
        acc_v[r, pl.ds(0, 16)] = zeros
        acc_v[r, pl.ds(16, 16)] = zeros
        return carry

    lax.fori_loop(0, ROWS_W, zrow, 0)
    copies = []
    for f in range(F):
        copies.append(
            pltpu.async_copy(table_hbm.at[idx_v.at[f]], acc_v, sem, add=True)
        )
    for cp in copies:
        cp.wait()
    pltpu.sync_copy(acc_v, out_hbm.at[pl.ds(base, ROWS_W)])


TWB = 16384
STEP = 4 * TWB
TGRID = -(-NROW // STEP)
GROWS = TGRID * TWB


def _transpose_body(in_ref, out_ref):
    out_ref[...] = jnp.concatenate(
        [in_ref[:, b * TWB:(b + 1) * TWB] for b in range(4)], axis=0
    ).T


_table_rowmajor = pl.pallas_call(
    _transpose_body,
    out_shape=jax.ShapeDtypeStruct((GROWS, 4 * D), jnp.float32),
    grid=(TGRID,),
    in_specs=[pl.BlockSpec((D, STEP), lambda i: (0, i))],
    out_specs=pl.BlockSpec((TWB, 4 * D), lambda i: (i, 0)),
)


def kernel(x, table):
    xt = x.T.astype(jnp.int32)
    rho = ((xt >> 16) << 16) + ((xt & 16383) << 2) + ((xt >> 14) & 3)
    t2 = _table_rowmajor(table.T)
    tr = jnp.reshape(t2, (4 * GROWS, D))
    return _field_embed(rho, tr)

# --- scband reference (transcript-rebuilt; emitter-appended) ---
"""Pipeline reference for scband-field-embedding-42099269436247 (READ-ONLY COPY).

The authoritative reference and input builder live on the scoring server;
editing this copy changes nothing except your own understanding.
"""

import jax, jax.numpy as jnp
import numpy as np


def setup_inputs(seed: int = 0) -> dict:
    key = jax.random.key(seed)
    k1, k2 = jax.random.split(key)
    x = jax.random.randint(k1, (4096, 26), 0, 1000000, dtype=jnp.int64 if jax.config.jax_enable_x64 else jnp.int32)
    table = jax.random.normal(k2, (1000000, 32), dtype=jnp.float32)
    return {"x": x, "table": table}


def reference(x, table):
    # Embedding lookup: gather rows of table by x -> [B, F, D]
    emb = jnp.take(table, x, axis=0)
    # Sum over field dimension (dim=1)
    out = emb.sum(axis=1)
    return out

if __name__ == "__main__":
    import jax
    _d = setup_inputs()
    print(jax.jit(kernel)(*tuple(_d.values())))

</pallas_src>

<mosaic_0001>
#map = affine_map<(d0, d1) -> (0, 0)>
module attributes {stable_mosaic.version = 14 : i64} {
  func.func @_field_embed(%arg0: i32, %arg1: i32, %arg2: memref<26x4096xi32, #tpu.memory_space<hbm>>, %arg3: memref<1048576x32xf32, #tpu.memory_space<hbm>>, %arg4: memref<4096x32xf32, #tpu.memory_space<hbm>>, %arg5: memref<26x128xi32, #tpu.memory_space<vmem>>, %arg6: memref<128x32xf32, #tpu.memory_space<vmem>>, %arg7: memref<!tpu.dma_semaphore, #tpu.memory_space<semaphore_mem>>) attributes {dimension_semantics = [#tpu.dimension_semantics<core_parallel>, #tpu.dimension_semantics<subcore_parallel>], iteration_bounds = array<i64: 2, 16>, scalar_prefetch = 0 : i64, scratch_operands = 3 : i64, tpu.core_type = #tpu.core_type<sc_vector_subcore>, window_params = [{transform_indices = #map}, {transform_indices = #map}, {transform_indices = #map}]} {
    %mul3A = arith.constant 2 : i32
    %mul3A_0 = arith.muli %arg1, %mul3A : i32
    %add3A = arith.addi %mul3A_0, %arg0 : i32
    %mul3A_1 = arith.constant 128 : i32
    %mul3A_2 = arith.muli %add3A, %mul3A_1 : i32
    "tpu.region"() ({
      %run_scoped3A = tpu.sem_alloc : memref<!tpu.dma_semaphore, #tpu.memory_space<semaphore_mem>>
      %dma_start3A_371 = arith.constant 0 : i32
      %dma_start3A_372 = tpu.memref_slice %arg2[%dma_start3A_371, %mul3A_2] : memref<26x4096xi32, #tpu.memory_space<hbm>> -> memref<26x128xi32, #tpu.memory_space<hbm>>
      %dma_start3A_373 = arith.constant 0 : i32
      %dma_start3A_374 = tpu.memref_slice %arg2[%dma_start3A_373, %mul3A_2] : memref<26x4096xi32, #tpu.memory_space<hbm>> -> memref<26x128xi32, #tpu.memory_space<hbm>>
      tpu.enqueue_dma source(%dma_start3A_374 : memref<26x128xi32, #tpu.memory_space<hbm>>) target(%arg5 : memref<26x128xi32, #tpu.memory_space<vmem>>) target_semaphore(%run_scoped3A : memref<!tpu.dma_semaphore, #tpu.memory_space<semaphore_mem>>)
      %dma_wait3A_375 = arith.constant 0 : i32
      %dma_wait3A_376 = tpu.memref_slice %arg2[%dma_wait3A_375, %mul3A_2] : memref<26x4096xi32, #tpu.memory_space<hbm>> -> memref<26x128xi32, #tpu.memory_space<hbm>>
      %dma_wait3A_377 = arith.constant 0 : i32
      %dma_wait3A_378 = tpu.memref_slice %arg2[%dma_wait3A_377, %mul3A_2] : memref<26x4096xi32, #tpu.memory_space<hbm>> -> memref<26x128xi32, #tpu.memory_space<hbm>>
      tpu.wait_dma2 semaphore(%run_scoped3A : memref<!tpu.dma_semaphore, #tpu.memory_space<semaphore_mem>>) src(%dma_wait3A_378 : memref<26x128xi32, #tpu.memory_space<hbm>>) dst(%arg5 : memref<26x128xi32, #tpu.memory_space<vmem>>)
      tpu.yield
    }) : () -> ()
    %broadcast_in_dim3A = arith.constant 0.000000e+00 : f32
    %broadcast_in_dim3A_3 = vector.broadcast %broadcast_in_dim3A : f32 to vector<16xf32>
    %scan3A = arith.constant 0 : i32
    %scan3A_4 = arith.constant 0 : i32
    %scan3A_5 = arith.constant 128 : i32
    %scan3A_6 = arith.addi %scan3A_4, %scan3A_5 : i32
    %scan3A_7 = arith.constant 1 : i32
    scf.for %scan3A_371 = %scan3A_4 to %scan3A_6 step %scan3A_7  : i32 {
      %swap3A = arith.index_cast %scan3A_371 : i32 to index
      %swap3A_372 = arith.constant 0 : index
      %swap3A_373 = tpu.vector_load %arg6[%swap3A, %swap3A_372] {strides = array<i32>} : memref<128x32xf32, #tpu.memory_space<vmem>>, vector<1x16xf32>,
      %swap3A_374 = vector.shape_cast %swap3A_373 : vector<1x16xf32> to vector<16xf32>
      %swap3A_375 = vector.shape_cast %broadcast_in_dim3A_3 : vector<16xf32> to vector<1x16xf32>
      tpu.vector_store %arg6[%swap3A, %swap3A_372], %swap3A_375 {strides = array<i32>} : memref<128x32xf32, #tpu.memory_space<vmem>>, vector<1x16xf32>,
      %swap3A_376 = arith.index_cast %scan3A_371 : i32 to index
      %swap3A_377 = arith.constant 16 : index
      %swap3A_378 = tpu.vector_load %arg6[%swap3A_376, %swap3A_377] {strides = array<i32>} : memref<128x32xf32, #tpu.memory_space<vmem>>, vector<1x16xf32>,
      %swap3A_379 = vector.shape_cast %swap3A_378 : vector<1x16xf32> to vector<16xf32>
      %swap3A_380 = vector.shape_cast %broadcast_in_dim3A_3 : vector<16xf32> to vector<1x16xf32>
      tpu.vector_store %arg6[%swap3A_376, %swap3A_377], %swap3A_380 {strides = array<i32>} : memref<128x32xf32, #tpu.memory_space<vmem>>, vector<1x16xf32>,
    }
    %scan3A_8 = arith.constant 128 : i32
    %dma_start3A = arith.constant 0 : i32
    %dma_start3A_9 = arith.constant 0 : i32
    %dma_start3A_10 = tpu.memref_slice %arg5[%dma_start3A, %dma_start3A_9] : memref<26x128xi32, #tpu.memory_space<vmem>> -> memref<1x128xi32, #tpu.memory_space<vmem>>
    %dma_start3A_11 = tpu.memref_squeeze %dma_start3A_10 : memref<1x128xi32, #tpu.memory_space<vmem>> -> memref<128xi32, #tpu.memory_space<vmem>>
    %dma_start3A_12 = arith.constant 0 : i32
    %dma_start3A_13 = arith.constant 0 : i32
    %dma_start3A_14 = tpu.memref_slice %arg3[%dma_start3A_12, %dma_start3A_13] : memref<1048576x32xf32, #tpu.memory_space<hbm>> -> memref<1048576x32xf32, #tpu.memory_space<hbm>>
    tpu.enqueue_indirect_dma source(%dma_start3A_14 : memref<1048576x32xf32, #tpu.memory_space<hbm>>) target(%arg6 : memref<128x32xf32, #tpu.memory_space<vmem>>) offsets(%dma_start3A_11 : memref<128xi32, #tpu.memory_space<vmem>>) semaphore(%arg7 : memref<!tpu.dma_semaphore, #tpu.memory_space<semaphore_mem>>) {add = true}
    %dma_start3A_15 = arith.constant 1 : i32
    %dma_start3A_16 = arith.constant 0 : i32
    %dma_start3A_17 = tpu.memref_slice %arg5[%dma_start3A_15, %dma_start3A_16] : memref<26x128xi32, #tpu.memory_space<vmem>> -> memref<1x128xi32, #tpu.memory_space<vmem>>
    %dma_start3A_18 = tpu.memref_squeeze %dma_start3A_17 : memref<1x128xi32, #tpu.memory_space<vmem>> -> memref<128xi32, #tpu.memory_space<vmem>>
    %dma_start3A_19 = arith.constant 0 : i32
    %dma_start3A_20 = arith.constant 0 : i32
    %dma_start3A_21 = tpu.memref_slice %arg3[%dma_start3A_19, %dma_start3A_20] : memref<1048576x32xf32, #tpu.memory_space<hbm>> -> memref<1048576x32xf32, #tpu.memory_space<hbm>>
    tpu.enqueue_indirect_dma source(%dma_start3A_21 : memref<1048576x32xf32, #tpu.memory_space<hbm>>) target(%arg6 : memref<128x32xf32, #tpu.memory_space<vmem>>) offsets(%dma_start3A_18 : memref<128xi32, #tpu.memory_space<vmem>>) semaphore(%arg7 : memref<!tpu.dma_semaphore, #tpu.memory_space<semaphore_mem>>) {add = true}
    %dma_start3A_22 = arith.constant 2 : i32
    %dma_start3A_23 = arith.constant 0 : i32
    %dma_start3A_24 = tpu.memref_slice %arg5[%dma_start3A_22, %dma_start3A_23] : memref<26x128xi32, #tpu.memory_space<vmem>> -> memref<1x128xi32, #tpu.memory_space<vmem>>
    %dma_start3A_25 = tpu.memref_squeeze %dma_start3A_24 : memref<1x128xi32, #tpu.memory_space<vmem>> -> memref<128xi32, #tpu.memory_space<vmem>>
    %dma_start3A_26 = arith.constant 0 : i32
    %dma_start3A_27 = arith.constant 0 : i32
    %dma_start3A_28 = tpu.memref_slice %arg3[%dma_start3A_26, %dma_start3A_27] : memref<1048576x32xf32, #tpu.memory_space<hbm>> -> memref<1048576x32xf32, #tpu.memory_space<hbm>>
    tpu.enqueue_indirect_dma source(%dma_start3A_28 : memref<1048576x32xf32, #tpu.memory_space<hbm>>) target(%arg6 : memref<128x32xf32, #tpu.memory_space<vmem>>) offsets(%dma_start3A_25 : memref<128xi32, #tpu.memory_space<vmem>>) semaphore(%arg7 : memref<!tpu.dma_semaphore, #tpu.memory_space<semaphore_mem>>) {add = true}
    %dma_start3A_29 = arith.constant 3 : i32
    %dma_start3A_30 = arith.constant 0 : i32
    %dma_start3A_31 = tpu.memref_slice %arg5[%dma_start3A_29, %dma_start3A_30] : memref<26x128xi32, #tpu.memory_space<vmem>> -> memref<1x128xi32, #tpu.memory_space<vmem>>
    %dma_start3A_32 = tpu.memref_squeeze %dma_start3A_31 : memref<1x128xi32, #tpu.memory_space<vmem>> -> memref<128xi32, #tpu.memory_space<vmem>>
    %dma_start3A_33 = arith.constant 0 : i32
    %dma_start3A_34 = arith.constant 0 : i32
    %dma_start3A_35 = tpu.memref_slice %arg3[%dma_start3A_33, %dma_start3A_34] : memref<1048576x32xf32, #tpu.memory_space<hbm>> -> memref<1048576x32xf32, #tpu.memory_space<hbm>>
    tpu.enqueue_indirect_dma source(%dma_start3A_35 : memref<1048576x32xf32, #tpu.memory_space<hbm>>) target(%arg6 : memref<128x32xf32, #tpu.memory_space<vmem>>) offsets(%dma_start3A_32 : memref<128xi32, #tpu.memory_space<vmem>>) semaphore(%arg7 : memref<!tpu.dma_semaphore, #tpu.memory_space<semaphore_mem>>) {add = true}
    %dma_start3A_36 = arith.constant 4 : i32
    %dma_start3A_37 = arith.constant 0 : i32
    %dma_start3A_38 = tpu.memref_slice %arg5[%dma_start3A_36, %dma_start3A_37] : memref<26x128xi32, #tpu.memory_space<vmem>> -> memref<1x128xi32, #tpu.memory_space<vmem>>
    %dma_start3A_39 = tpu.memref_squeeze %dma_start3A_38 : memref<1x128xi32, #tpu.memory_space<vmem>> -> memref<128xi32, #tpu.memory_space<vmem>>
    %dma_start3A_40 = arith.constant 0 : i32
    %dma_start3A_41 = arith.constant 0 : i32
    %dma_start3A_42 = tpu.memref_slice %arg3[%dma_start3A_40, %dma_start3A_41] : memref<1048576x32xf32, #tpu.memory_space<hbm>> -> memref<1048576x32xf32, #tpu.memory_space<hbm>>
    tpu.enqueue_indirect_dma source(%dma_start3A_42 : memref<1048576x32xf32, #tpu.memory_space<hbm>>) target(%arg6 : memref<128x32xf32, #tpu.memory_space<vmem>>) offsets(%dma_start3A_39 : memref<128xi32, #tpu.memory_space<vmem>>) semaphore(%arg7 : memref<!tpu.dma_semaphore, #tpu.memory_space<semaphore_mem>>) {add = true}
    %dma_start3A_43 = arith.constant 5 : i32
    %dma_start3A_44 = arith.constant 0 : i32
    %dma_start3A_45 = tpu.memref_slice %arg5[%dma_start3A_43, %dma_start3A_44] : memref<26x128xi32, #tpu.memory_space<vmem>> -> memref<1x128xi32, #tpu.memory_space<vmem>>
    %dma_start3A_46 = tpu.memref_squeeze %dma_start3A_45 : memref<1x128xi32, #tpu.memory_space<vmem>> -> memref<128xi32, #tpu.memory_space<vmem>>
    %dma_start3A_47 = arith.constant 0 : i32
    %dma_start3A_48 = arith.constant 0 : i32
    %dma_start3A_49 = tpu.memref_slice %arg3[%dma_start3A_47, %dma_start3A_48] : memref<1048576x32xf32, #tpu.memory_space<hbm>> -> memref<1048576x32xf32, #tpu.memory_space<hbm>>
    tpu.enqueue_indirect_dma source(%dma_start3A_49 : memref<1048576x32xf32, #tpu.memory_space<hbm>>) target(%arg6 : memref<128x32xf32, #tpu.memory_space<vmem>>) offsets(%dma_start3A_46 : memref<128xi32, #tpu.memory_space<vmem>>) semaphore(%arg7 : memref<!tpu.dma_semaphore, #tpu.memory_space<semaphore_mem>>) {add = true}
    %dma_start3A_50 = arith.constant 6 : i32
    %dma_start3A_51 = arith.constant 0 : i32
    %dma_start3A_52 = tpu.memref_slice %arg5[%dma_start3A_50, %dma_start3A_51] : memref<26x128xi32, #tpu.memory_space<vmem>> -> memref<1x128xi32, #tpu.memory_space<vmem>>
    %dma_start3A_53 = tpu.memref_squeeze %dma_start3A_52 : memref<1x128xi32, #tpu.memory_space<vmem>> -> memref<128xi32, #tpu.memory_space<vmem>>
    %dma_start3A_54 = arith.constant 0 : i32
    %dma_start3A_55 = arith.constant 0 : i32
    %dma_start3A_56 = tpu.memref_slice %arg3[%dma_start3A_54, %dma_start3A_55] : memref<1048576x32xf32, #tpu.memory_space<hbm>> -> memref<1048576x32xf32, #tpu.memory_space<hbm>>
    tpu.enqueue_indirect_dma source(%dma_start3A_56 : memref<1048576x32xf32, #tpu.memory_space<hbm>>) target(%arg6 : memref<128x32xf32, #tpu.memory_space<vmem>>) offsets(%dma_start3A_53 : memref<128xi32, #tpu.memory_space<vmem>>) semaphore(%arg7 : memref<!tpu.dma_semaphore, #tpu.memory_space<semaphore_mem>>) {add = true}
    %dma_start3A_57 = arith.constant 7 : i32
    %dma_start3A_58 = arith.constant 0 : i32
    %dma_start3A_59 = tpu.memref_slice %arg5[%dma_start3A_57, %dma_start3A_58] : memref<26x128xi32, #tpu.memory_space<vmem>> -> memref<1x128xi32, #tpu.memory_space<vmem>>
    %dma_start3A_60 = tpu.memref_squeeze %dma_start3A_59 : memref<1x128xi32, #tpu.memory_space<vmem>> -> memref<128xi32, #tpu.memory_space<vmem>>
    %dma_start3A_61 = arith.constant 0 : i32
    %dma_start3A_62 = arith.constant 0 : i32
    %dma_start3A_63 = tpu.memref_slice %arg3[%dma_start3A_61, %dma_start3A_62] : memref<1048576x32xf32, #tpu.memory_space<hbm>> -> memref<1048576x32xf32, #tpu.memory_space<hbm>>
    tpu.enqueue_indirect_dma source(%dma_start3A_63 : memref<1048576x32xf32, #tpu.memory_space<hbm>>) target(%arg6 : memref<128x32xf32, #tpu.memory_space<vmem>>) offsets(%dma_start3A_60 : memref<128xi32, #tpu.memory_space<vmem>>) semaphore(%arg7 : memref<!tpu.dma_semaphore, #tpu.memory_space<semaphore_mem>>) {add = true}
    %dma_start3A_64 = arith.constant 8 : i32
    %dma_start3A_65 = arith.constant 0 : i32
    %dma_start3A_66 = tpu.memref_slice %arg5[%dma_start3A_64, %dma_start3A_65] : memref<26x128xi32, #tpu.memory_space<vmem>> -> memref<1x128xi32, #tpu.memory_space<vmem>>
    %dma_start3A_67 = tpu.memref_squeeze %dma_start3A_66 : memref<1x128xi32, #tpu.memory_space<vmem>> -> memref<128xi32, #tpu.memory_space<vmem>>
    %dma_start3A_68 = arith.constant 0 : i32
    %dma_start3A_69 = arith.constant 0 : i32
    %dma_start3A_70 = tpu.memref_slice %arg3[%dma_start3A_68, %dma_start3A_69] : memref<1048576x32xf32, #tpu.memory_space<hbm>> -> memref<1048576x32xf32, #tpu.memory_space<hbm>>
    tpu.enqueue_indirect_dma source(%dma_start3A_70 : memref<1048576x32xf32, #tpu.memory_space<hbm>>) target(%arg6 : memref<128x32xf32, #tpu.memory_space<vmem>>) offsets(%dma_start3A_67 : memref<128xi32, #tpu.memory_space<vmem>>) semaphore(%arg7 : memref<!tpu.dma_semaphore, #tpu.memory_space<semaphore_mem>>) {add = true}
    %dma_start3A_71 = arith.constant 9 : i32
    %dma_start3A_72 = arith.constant 0 : i32
    %dma_start3A_73 = tpu.memref_slice %arg5[%dma_start3A_71, %dma_start3A_72] : memref<26x128xi32, #tpu.memory_space<vmem>> -> memref<1x128xi32, #tpu.memory_space<vmem>>
    %dma_start3A_74 = tpu.memref_squeeze %dma_start3A_73 : memref<1x128xi32, #tpu.memory_space<vmem>> -> memref<128xi32, #tpu.memory_space<vmem>>
    %dma_start3A_75 = arith.constant 0 : i32
    %dma_start3A_76 = arith.constant 0 : i32
    %dma_start3A_77 = tpu.memref_slice %arg3[%dma_start3A_75, %dma_start3A_76] : memref<1048576x32xf32, #tpu.memory_space<hbm>> -> memref<1048576x32xf32, #tpu.memory_space<hbm>>
    tpu.enqueue_indirect_dma source(%dma_start3A_77 : memref<1048576x32xf32, #tpu.memory_space<hbm>>) target(%arg6 : memref<128x32xf32, #tpu.memory_space<vmem>>) offsets(%dma_start3A_74 : memref<128xi32, #tpu.memory_space<vmem>>) semaphore(%arg7 : memref<!tpu.dma_semaphore, #tpu.memory_space<semaphore_mem>>) {add = true}
    %dma_start3A_78 = arith.constant 10 : i32
    %dma_start3A_79 = arith.constant 0 : i32
    %dma_start3A_80 = tpu.memref_slice %arg5[%dma_start3A_78, %dma_start3A_79] : memref<26x128xi32, #tpu.memory_space<vmem>> -> memref<1x128xi32, #tpu.memory_space<vmem>>
    %dma_start3A_81 = tpu.memref_squeeze %dma_start3A_80 : memref<1x128xi32, #tpu.memory_space<vmem>> -> memref<128xi32, #tpu.memory_space<vmem>>
    %dma_start3A_82 = arith.constant 0 : i32
    %dma_start3A_83 = arith.constant 0 : i32
    %dma_start3A_84 = tpu.memref_slice %arg3[%dma_start3A_82, %dma_start3A_83] : memref<1048576x32xf32, #tpu.memory_space<hbm>> -> memref<1048576x32xf32, #tpu.memory_space<hbm>>
    tpu.enqueue_indirect_dma source(%dma_start3A_84 : memref<1048576x32xf32, #tpu.memory_space<hbm>>) target(%arg6 : memref<128x32xf32, #tpu.memory_space<vmem>>) offsets(%dma_start3A_81 : memref<128xi32, #tpu.memory_space<vmem>>) semaphore(%arg7 : memref<!tpu.dma_semaphore, #tpu.memory_space<semaphore_mem>>) {add = true}
    %dma_start3A_85 = arith.constant 11 : i32
    %dma_start3A_86 = arith.constant 0 : i32
    %dma_start3A_87 = tpu.memref_slice %arg5[%dma_start3A_85, %dma_start3A_86] : memref<26x128xi32, #tpu.memory_space<vmem>> -> memref<1x128xi32, #tpu.memory_space<vmem>>
    %dma_start3A_88 = tpu.memref_squeeze %dma_start3A_87 : memref<1x128xi32, #tpu.memory_space<vmem>> -> memref<128xi32, #tpu.memory_space<vmem>>
    %dma_start3A_89 = arith.constant 0 : i32
    %dma_start3A_90 = arith.constant 0 : i32
    %dma_start3A_91 = tpu.memref_slice %arg3[%dma_start3A_89, %dma_start3A_90] : memref<1048576x32xf32, #tpu.memory_space<hbm>> -> memref<1048576x32xf32, #tpu.memory_space<hbm>>
    tpu.enqueue_indirect_dma source(%dma_start3A_91 : memref<1048576x32xf32, #tpu.memory_space<hbm>>) target(%arg6 : memref<128x32xf32, #tpu.memory_space<vmem>>) offsets(%dma_start3A_88 : memref<128xi32, #tpu.memory_space<vmem>>) semaphore(%arg7 : memref<!tpu.dma_semaphore, #tpu.memory_space<semaphore_mem>>) {add = true}
    %dma_start3A_92 = arith.constant 12 : i32
    %dma_start3A_93 = arith.constant 0 : i32
    %dma_start3A_94 = tpu.memref_slice %arg5[%dma_start3A_92, %dma_start3A_93] : memref<26x128xi32, #tpu.memory_space<vmem>> -> memref<1x128xi32, #tpu.memory_space<vmem>>
    %dma_start3A_95 = tpu.memref_squeeze %dma_start3A_94 : memref<1x128xi32, #tpu.memory_space<vmem>> -> memref<128xi32, #tpu.memory_space<vmem>>
    %dma_start3A_96 = arith.constant 0 : i32
    %dma_start3A_97 = arith.constant 0 : i32
    %dma_start3A_98 = tpu.memref_slice %arg3[%dma_start3A_96, %dma_start3A_97] : memref<1048576x32xf32, #tpu.memory_space<hbm>> -> memref<1048576x32xf32, #tpu.memory_space<hbm>>
    tpu.enqueue_indirect_dma source(%dma_start3A_98 : memref<1048576x32xf32, #tpu.memory_space<hbm>>) target(%arg6 : memref<128x32xf32, #tpu.memory_space<vmem>>) offsets(%dma_start3A_95 : memref<128xi32, #tpu.memory_space<vmem>>) semaphore(%arg7 : memref<!tpu.dma_semaphore, #tpu.memory_space<semaphore_mem>>) {add = true}
    %dma_start3A_99 = arith.constant 13 : i32
    %dma_start3A_100 = arith.constant 0 : i32
    %dma_start3A_101 = tpu.memref_slice %arg5[%dma_start3A_99, %dma_start3A_100] : memref<26x128xi32, #tpu.memory_space<vmem>> -> memref<1x128xi32, #tpu.memory_space<vmem>>
    %dma_start3A_102 = tpu.memref_squeeze %dma_start3A_101 : memref<1x128xi32, #tpu.memory_space<vmem>> -> memref<128xi32, #tpu.memory_space<vmem>>
    %dma_start3A_103 = arith.constant 0 : i32
    %dma_start3A_104 = arith.constant 0 : i32
    %dma_start3A_105 = tpu.memref_slice %arg3[%dma_start3A_103, %dma_start3A_104] : memref<1048576x32xf32, #tpu.memory_space<hbm>> -> memref<1048576x32xf32, #tpu.memory_space<hbm>>
    tpu.enqueue_indirect_dma source(%dma_start3A_105 : memref<1048576x32xf32, #tpu.memory_space<hbm>>) target(%arg6 : memref<128x32xf32, #tpu.memory_space<vmem>>) offsets(%dma_start3A_102 : memref<128xi32, #tpu.memory_space<vmem>>) semaphore(%arg7 : memref<!tpu.dma_semaphore, #tpu.memory_space<semaphore_mem>>) {add = true}
    %dma_start3A_106 = arith.constant 14 : i32
    %dma_start3A_107 = arith.constant 0 : i32
    %dma_start3A_108 = tpu.memref_slice %arg5[%dma_start3A_106, %dma_start3A_107] : memref<26x128xi32, #tpu.memory_space<vmem>> -> memref<1x128xi32, #tpu.memory_space<vmem>>
    %dma_start3A_109 = tpu.memref_squeeze %dma_start3A_108 : memref<1x128xi32, #tpu.memory_space<vmem>> -> memref<128xi32, #tpu.memory_space<vmem>>
    %dma_start3A_110 = arith.constant 0 : i32
    %dma_start3A_111 = arith.constant 0 : i32
    %dma_start3A_112 = tpu.memref_slice %arg3[%dma_start3A_110, %dma_start3A_111] : memref<1048576x32xf32, #tpu.memory_space<hbm>> -> memref<1048576x32xf32, #tpu.memory_space<hbm>>
    tpu.enqueue_indirect_dma source(%dma_start3A_112 : memref<1048576x32xf32, #tpu.memory_space<hbm>>) target(%arg6 : memref<128x32xf32, #tpu.memory_space<vmem>>) offsets(%dma_start3A_109 : memref<128xi32, #tpu.memory_space<vmem>>) semaphore(%arg7 : memref<!tpu.dma_semaphore, #tpu.memory_space<semaphore_mem>>) {add = true}
    %dma_start3A_113 = arith.constant 15 : i32
    %dma_start3A_114 = arith.constant 0 : i32
    %dma_start3A_115 = tpu.memref_slice %arg5[%dma_start3A_113, %dma_start3A_114] : memref<26x128xi32, #tpu.memory_space<vmem>> -> memref<1x128xi32, #tpu.memory_space<vmem>>
    %dma_start3A_116 = tpu.memref_squeeze %dma_start3A_115 : memref<1x128xi32, #tpu.memory_space<vmem>> -> memref<128xi32, #tpu.memory_space<vmem>>
    %dma_start3A_117 = arith.constant 0 : i32
    %dma_start3A_118 = arith.constant 0 : i32
    %dma_start3A_119 = tpu.memref_slice %arg3[%dma_start3A_117, %dma_start3A_118] : memref<1048576x32xf32, #tpu.memory_space<hbm>> -> memref<1048576x32xf32, #tpu.memory_space<hbm>>
    tpu.enqueue_indirect_dma source(%dma_start3A_119 : memref<1048576x32xf32, #tpu.memory_space<hbm>>) target(%arg6 : memref<128x32xf32, #tpu.memory_space<vmem>>) offsets(%dma_start3A_116 : memref<128xi32, #tpu.memory_space<vmem>>) semaphore(%arg7 : memref<!tpu.dma_semaphore, #tpu.memory_space<semaphore_mem>>) {add = true}
    %dma_start3A_120 = arith.constant 16 : i32
    %dma_start3A_121 = arith.constant 0 : i32
    %dma_start3A_122 = tpu.memref_slice %arg5[%dma_start3A_120, %dma_start3A_121] : memref<26x128xi32, #tpu.memory_space<vmem>> -> memref<1x128xi32, #tpu.memory_space<vmem>>
    %dma_start3A_123 = tpu.memref_squeeze %dma_start3A_122 : memref<1x128xi32, #tpu.memory_space<vmem>> -> memref<128xi32, #tpu.memory_space<vmem>>
    %dma_start3A_124 = arith.constant 0 : i32
    %dma_start3A_125 = arith.constant 0 : i32
    %dma_start3A_126 = tpu.memref_slice %arg3[%dma_start3A_124, %dma_start3A_125] : memref<1048576x32xf32, #tpu.memory_space<hbm>> -> memref<1048576x32xf32, #tpu.memory_space<hbm>>
    tpu.enqueue_indirect_dma source(%dma_start3A_126 : memref<1048576x32xf32, #tpu.memory_space<hbm>>) target(%arg6 : memref<128x32xf32, #tpu.memory_space<vmem>>) offsets(%dma_start3A_123 : memref<128xi32, #tpu.memory_space<vmem>>) semaphore(%arg7 : memref<!tpu.dma_semaphore, #tpu.memory_space<semaphore_mem>>) {add = true}
    %dma_start3A_127 = arith.constant 17 : i32
    %dma_start3A_128 = arith.constant 0 : i32
    %dma_start3A_129 = tpu.memref_slice %arg5[%dma_start3A_127, %dma_start3A_128] : memref<26x128xi32, #tpu.memory_space<vmem>> -> memref<1x128xi32, #tpu.memory_space<vmem>>
    %dma_start3A_130 = tpu.memref_squeeze %dma_start3A_129 : memref<1x128xi32, #tpu.memory_space<vmem>> -> memref<128xi32, #tpu.memory_space<vmem>>
    %dma_start3A_131 = arith.constant 0 : i32
    %dma_start3A_132 = arith.constant 0 : i32
    %dma_start3A_133 = tpu.memref_slice %arg3[%dma_start3A_131, %dma_start3A_132] : memref<1048576x32xf32, #tpu.memory_space<hbm>> -> memref<1048576x32xf32, #tpu.memory_space<hbm>>
    tpu.enqueue_indirect_dma source(%dma_start3A_133 : memref<1048576x32xf32, #tpu.memory_space<hbm>>) target(%arg6 : memref<128x32xf32, #tpu.memory_space<vmem>>) offsets(%dma_start3A_130 : memref<128xi32, #tpu.memory_space<vmem>>) semaphore(%arg7 : memref<!tpu.dma_semaphore, #tpu.memory_space<semaphore_mem>>) {add = true}
    %dma_start3A_134 = arith.constant 18 : i32
    %dma_start3A_135 = arith.constant 0 : i32
    %dma_start3A_136 = tpu.memref_slice %arg5[%dma_start3A_134, %dma_start3A_135] : memref<26x128xi32, #tpu.memory_space<vmem>> -> memref<1x128xi32, #tpu.memory_space<vmem>>
    %dma_start3A_137 = tpu.memref_squeeze %dma_start3A_136 : memref<1x128xi32, #tpu.memory_space<vmem>> -> memref<128xi32, #tpu.memory_space<vmem>>
    %dma_start3A_138 = arith.constant 0 : i32
    %dma_start3A_139 = arith.constant 0 : i32
    %dma_start3A_140 = tpu.memref_slice %arg3[%dma_start3A_138, %dma_start3A_139] : memref<1048576x32xf32, #tpu.memory_space<hbm>> -> memref<1048576x32xf32, #tpu.memory_space<hbm>>
    tpu.enqueue_indirect_dma source(%dma_start3A_140 : memref<1048576x32xf32, #tpu.memory_space<hbm>>) target(%arg6 : memref<128x32xf32, #tpu.memory_space<vmem>>) offsets(%dma_start3A_137 : memref<128xi32, #tpu.memory_space<vmem>>) semaphore(%arg7 : memref<!tpu.dma_semaphore, #tpu.memory_space<semaphore_mem>>) {add = true}
    %dma_start3A_141 = arith.constant 19 : i32
    %dma_start3A_142 = arith.constant 0 : i32
    %dma_start3A_143 = tpu.memref_slice %arg5[%dma_start3A_141, %dma_start3A_142] : memref<26x128xi32, #tpu.memory_space<vmem>> -> memref<1x128xi32, #tpu.memory_space<vmem>>
    %dma_start3A_144 = tpu.memref_squeeze %dma_start3A_143 : memref<1x128xi32, #tpu.memory_space<vmem>> -> memref<128xi32, #tpu.memory_space<vmem>>
    %dma_start3A_145 = arith.constant 0 : i32
    %dma_start3A_146 = arith.constant 0 : i32
    %dma_start3A_147 = tpu.memref_slice %arg3[%dma_start3A_145, %dma_start3A_146] : memref<1048576x32xf32, #tpu.memory_space<hbm>> -> memref<1048576x32xf32, #tpu.memory_space<hbm>>
    tpu.enqueue_indirect_dma source(%dma_start3A_147 : memref<1048576x32xf32, #tpu.memory_space<hbm>>) target(%arg6 : memref<128x32xf32, #tpu.memory_space<vmem>>) offsets(%dma_start3A_144 : memref<128xi32, #tpu.memory_space<vmem>>) semaphore(%arg7 : memref<!tpu.dma_semaphore, #tpu.memory_space<semaphore_mem>>) {add = true}
    %dma_start3A_148 = arith.constant 20 : i32
    %dma_start3A_149 = arith.constant 0 : i32
    %dma_start3A_150 = tpu.memref_slice %arg5[%dma_start3A_148, %dma_start3A_149] : memref<26x128xi32, #tpu.memory_space<vmem>> -> memref<1x128xi32, #tpu.memory_space<vmem>>
    %dma_start3A_151 = tpu.memref_squeeze %dma_start3A_150 : memref<1x128xi32, #tpu.memory_space<vmem>> -> memref<128xi32, #tpu.memory_space<vmem>>
    %dma_start3A_152 = arith.constant 0 : i32
    %dma_start3A_153 = arith.constant 0 : i32
    %dma_start3A_154 = tpu.memref_slice %arg3[%dma_start3A_152, %dma_start3A_153] : memref<1048576x32xf32, #tpu.memory_space<hbm>> -> memref<1048576x32xf32, #tpu.memory_space<hbm>>
    tpu.enqueue_indirect_dma source(%dma_start3A_154 : memref<1048576x32xf32, #tpu.memory_space<hbm>>) target(%arg6 : memref<128x32xf32, #tpu.memory_space<vmem>>) offsets(%dma_start3A_151 : memref<128xi32, #tpu.memory_space<vmem>>) semaphore(%arg7 : memref<!tpu.dma_semaphore, #tpu.memory_space<semaphore_mem>>) {add = true}
    %dma_start3A_155 = arith.constant 21 : i32
    %dma_start3A_156 = arith.constant 0 : i32
    %dma_start3A_157 = tpu.memref_slice %arg5[%dma_start3A_155, %dma_start3A_156] : memref<26x128xi32, #tpu.memory_space<vmem>> -> memref<1x128xi32, #tpu.memory_space<vmem>>
    %dma_start3A_158 = tpu.memref_squeeze %dma_start3A_157 : memref<1x128xi32, #tpu.memory_space<vmem>> -> memref<128xi32, #tpu.memory_space<vmem>>
    %dma_start3A_159 = arith.constant 0 : i32
    %dma_start3A_160 = arith.constant 0 : i32
    %dma_start3A_161 = tpu.memref_slice %arg3[%dma_start3A_159, %dma_start3A_160] : memref<1048576x32xf32, #tpu.memory_space<hbm>> -> memref<1048576x32xf32, #tpu.memory_space<hbm>>
    tpu.enqueue_indirect_dma source(%dma_start3A_161 : memref<1048576x32xf32, #tpu.memory_space<hbm>>) target(%arg6 : memref<128x32xf32, #tpu.memory_space<vmem>>) offsets(%dma_start3A_158 : memref<128xi32, #tpu.memory_space<vmem>>) semaphore(%arg7 : memref<!tpu.dma_semaphore, #tpu.memory_space<semaphore_mem>>) {add = true}
    %dma_start3A_162 = arith.constant 22 : i32
    %dma_start3A_163 = arith.constant 0 : i32
    %dma_start3A_164 = tpu.memref_slice %arg5[%dma_start3A_162, %dma_start3A_163] : memref<26x128xi32, #tpu.memory_space<vmem>> -> memref<1x128xi32, #tpu.memory_space<vmem>>
    %dma_start3A_165 = tpu.memref_squeeze %dma_start3A_164 : memref<1x128xi32, #tpu.memory_space<vmem>> -> memref<128xi32, #tpu.memory_space<vmem>>
    %dma_start3A_166 = arith.constant 0 : i32
    %dma_start3A_167 = arith.constant 0 : i32
    %dma_start3A_168 = tpu.memref_slice %arg3[%dma_start3A_166, %dma_start3A_167] : memref<1048576x32xf32, #tpu.memory_space<hbm>> -> memref<1048576x32xf32, #tpu.memory_space<hbm>>
    tpu.enqueue_indirect_dma source(%dma_start3A_168 : memref<1048576x32xf32, #tpu.memory_space<hbm>>) target(%arg6 : memref<128x32xf32, #tpu.memory_space<vmem>>) offsets(%dma_start3A_165 : memref<128xi32, #tpu.memory_space<vmem>>) semaphore(%arg7 : memref<!tpu.dma_semaphore, #tpu.memory_space<semaphore_mem>>) {add = true}
    %dma_start3A_169 = arith.constant 23 : i32
    %dma_start3A_170 = arith.constant 0 : i32
    %dma_start3A_171 = tpu.memref_slice %arg5[%dma_start3A_169, %dma_start3A_170] : memref<26x128xi32, #tpu.memory_space<vmem>> -> memref<1x128xi32, #tpu.memory_space<vmem>>
    %dma_start3A_172 = tpu.memref_squeeze %dma_start3A_171 : memref<1x128xi32, #tpu.memory_space<vmem>> -> memref<128xi32, #tpu.memory_space<vmem>>
    %dma_start3A_173 = arith.constant 0 : i32
    %dma_start3A_174 = arith.constant 0 : i32
    %dma_start3A_175 = tpu.memref_slice %arg3[%dma_start3A_173, %dma_start3A_174] : memref<1048576x32xf32, #tpu.memory_space<hbm>> -> memref<1048576x32xf32, #tpu.memory_space<hbm>>
    tpu.enqueue_indirect_dma source(%dma_start3A_175 : memref<1048576x32xf32, #tpu.memory_space<hbm>>) target(%arg6 : memref<128x32xf32, #tpu.memory_space<vmem>>) offsets(%dma_start3A_172 : memref<128xi32, #tpu.memory_space<vmem>>) semaphore(%arg7 : memref<!tpu.dma_semaphore, #tpu.memory_space<semaphore_mem>>) {add = true}
    %dma_start3A_176 = arith.constant 24 : i32
    %dma_start3A_177 = arith.constant 0 : i32
    %dma_start3A_178 = tpu.memref_slice %arg5[%dma_start3A_176, %dma_start3A_177] : memref<26x128xi32, #tpu.memory_space<vmem>> -> memref<1x128xi32, #tpu.memory_space<vmem>>
    %dma_start3A_179 = tpu.memref_squeeze %dma_start3A_178 : memref<1x128xi32, #tpu.memory_space<vmem>> -> memref<128xi32, #tpu.memory_space<vmem>>
    %dma_start3A_180 = arith.constant 0 : i32
    %dma_start3A_181 = arith.constant 0 : i32
    %dma_start3A_182 = tpu.memref_slice %arg3[%dma_start3A_180, %dma_start3A_181] : memref<1048576x32xf32, #tpu.memory_space<hbm>> -> memref<1048576x32xf32, #tpu.memory_space<hbm>>
    tpu.enqueue_indirect_dma source(%dma_start3A_182 : memref<1048576x32xf32, #tpu.memory_space<hbm>>) target(%arg6 : memref<128x32xf32, #tpu.memory_space<vmem>>) offsets(%dma_start3A_179 : memref<128xi32, #tpu.memory_space<vmem>>) semaphore(%arg7 : memref<!tpu.dma_semaphore, #tpu.memory_space<semaphore_mem>>) {add = true}
    %dma_start3A_183 = arith.constant 25 : i32
    %dma_start3A_184 = arith.constant 0 : i32
    %dma_start3A_185 = tpu.memref_slice %arg5[%dma_start3A_183, %dma_start3A_184] : memref<26x128xi32, #tpu.memory_space<vmem>> -> memref<1x128xi32, #tpu.memory_space<vmem>>
    %dma_start3A_186 = tpu.memref_squeeze %dma_start3A_185 : memref<1x128xi32, #tpu.memory_space<vmem>> -> memref<128xi32, #tpu.memory_space<vmem>>
    %dma_start3A_187 = arith.constant 0 : i32
    %dma_start3A_188 = arith.constant 0 : i32
    %dma_start3A_189 = tpu.memref_slice %arg3[%dma_start3A_187, %dma_start3A_188] : memref<1048576x32xf32, #tpu.memory_space<hbm>> -> memref<1048576x32xf32, #tpu.memory_space<hbm>>
    tpu.enqueue_indirect_dma source(%dma_start3A_189 : memref<1048576x32xf32, #tpu.memory_space<hbm>>) target(%arg6 : memref<128x32xf32, #tpu.memory_space<vmem>>) offsets(%dma_start3A_186 : memref<128xi32, #tpu.memory_space<vmem>>) semaphore(%arg7 : memref<!tpu.dma_semaphore, #tpu.memory_space<semaphore_mem>>) {add = true}
    %dma_wait3A = arith.constant 0 : i32
    %dma_wait3A_190 = arith.constant 0 : i32
    %dma_wait3A_191 = tpu.memref_slice %arg5[%dma_wait3A, %dma_wait3A_190] : memref<26x128xi32, #tpu.memory_space<vmem>> -> memref<1x128xi32, #tpu.memory_space<vmem>>
    %dma_wait3A_192 = tpu.memref_squeeze %dma_wait3A_191 : memref<1x128xi32, #tpu.memory_space<vmem>> -> memref<128xi32, #tpu.memory_space<vmem>>
    %dma_wait3A_193 = arith.constant 0 : i32
    %dma_wait3A_194 = arith.constant 0 : i32
    %dma_wait3A_195 = tpu.memref_slice %arg3[%dma_wait3A_193, %dma_wait3A_194] : memref<1048576x32xf32, #tpu.memory_space<hbm>> -> memref<1048576x32xf32, #tpu.memory_space<hbm>>
    tpu.wait_indirect_dma semaphore(%arg7 : memref<!tpu.dma_semaphore, #tpu.memory_space<semaphore_mem>>) src(%dma_wait3A_195 : memref<1048576x32xf32, #tpu.memory_space<hbm>>) dst(%arg6 : memref<128x32xf32, #tpu.memory_space<vmem>>)
    %dma_wait3A_196 = arith.constant 1 : i32
    %dma_wait3A_197 = arith.constant 0 : i32
    %dma_wait3A_198 = tpu.memref_slice %arg5[%dma_wait3A_196, %dma_wait3A_197] : memref<26x128xi32, #tpu.memory_space<vmem>> -> memref<1x128xi32, #tpu.memory_space<vmem>>
    %dma_wait3A_199 = tpu.memref_squeeze %dma_wait3A_198 : memref<1x128xi32, #tpu.memory_space<vmem>> -> memref<128xi32, #tpu.memory_space<vmem>>
    %dma_wait3A_200 = arith.constant 0 : i32
    %dma_wait3A_201 = arith.constant 0 : i32
    %dma_wait3A_202 = tpu.memref_slice %arg3[%dma_wait3A_200, %dma_wait3A_201] : memref<1048576x32xf32, #tpu.memory_space<hbm>> -> memref<1048576x32xf32, #tpu.memory_space<hbm>>
    tpu.wait_indirect_dma semaphore(%arg7 : memref<!tpu.dma_semaphore, #tpu.memory_space<semaphore_mem>>) src(%dma_wait3A_202 : memref<1048576x32xf32, #tpu.memory_space<hbm>>) dst(%arg6 : memref<128x32xf32, #tpu.memory_space<vmem>>)
    %dma_wait3A_203 = arith.constant 2 : i32
    %dma_wait3A_204 = arith.constant 0 : i32
    %dma_wait3A_205 = tpu.memref_slice %arg5[%dma_wait3A_203, %dma_wait3A_204] : memref<26x128xi32, #tpu.memory_space<vmem>> -> memref<1x128xi32, #tpu.memory_space<vmem>>
    %dma_wait3A_206 = tpu.memref_squeeze %dma_wait3A_205 : memref<1x128xi32, #tpu.memory_space<vmem>> -> memref<128xi32, #tpu.memory_space<vmem>>
    %dma_wait3A_207 = arith.constant 0 : i32
    %dma_wait3A_208 = arith.constant 0 : i32
    %dma_wait3A_209 = tpu.memref_slice %arg3[%dma_wait3A_207, %dma_wait3A_208] : memref<1048576x32xf32, #tpu.memory_space<hbm>> -> memref<1048576x32xf32, #tpu.memory_space<hbm>>
    tpu.wait_indirect_dma semaphore(%arg7 : memref<!tpu.dma_semaphore, #tpu.memory_space<semaphore_mem>>) src(%dma_wait3A_209 : memref<1048576x32xf32, #tpu.memory_space<hbm>>) dst(%arg6 : memref<128x32xf32, #tpu.memory_space<vmem>>)
    %dma_wait3A_210 = arith.constant 3 : i32
    %dma_wait3A_211 = arith.constant 0 : i32
    %dma_wait3A_212 = tpu.memref_slice %arg5[%dma_wait3A_210, %dma_wait3A_211] : memref<26x128xi32, #tpu.memory_space<vmem>> -> memref<1x128xi32, #tpu.memory_space<vmem>>
    %dma_wait3A_213 = tpu.memref_squeeze %dma_wait3A_212 : memref<1x128xi32, #tpu.memory_space<vmem>> -> memref<128xi32, #tpu.memory_space<vmem>>
    %dma_wait3A_214 = arith.constant 0 : i32
    %dma_wait3A_215 = arith.constant 0 : i32
    %dma_wait3A_216 = tpu.memref_slice %arg3[%dma_wait3A_214, %dma_wait3A_215] : memref<1048576x32xf32, #tpu.memory_space<hbm>> -> memref<1048576x32xf32, #tpu.memory_space<hbm>>
    tpu.wait_indirect_dma semaphore(%arg7 : memref<!tpu.dma_semaphore, #tpu.memory_space<semaphore_mem>>) src(%dma_wait3A_216 : memref<1048576x32xf32, #tpu.memory_space<hbm>>) dst(%arg6 : memref<128x32xf32, #tpu.memory_space<vmem>>)
    %dma_wait3A_217 = arith.constant 4 : i32
    %dma_wait3A_218 = arith.constant 0 : i32
    %dma_wait3A_219 = tpu.memref_slice %arg5[%dma_wait3A_217, %dma_wait3A_218] : memref<26x128xi32, #tpu.memory_space<vmem>> -> memref<1x128xi32, #tpu.memory_space<vmem>>
    %dma_wait3A_220 = tpu.memref_squeeze %dma_wait3A_219 : memref<1x128xi32, #tpu.memory_space<vmem>> -> memref<128xi32, #tpu.memory_space<vmem>>
    %dma_wait3A_221 = arith.constant 0 : i32
    %dma_wait3A_222 = arith.constant 0 : i32
    %dma_wait3A_223 = tpu.memref_slice %arg3[%dma_wait3A_221, %dma_wait3A_222] : memref<1048576x32xf32, #tpu.memory_space<hbm>> -> memref<1048576x32xf32, #tpu.memory_space<hbm>>
    tpu.wait_indirect_dma semaphore(%arg7 : memref<!tpu.dma_semaphore, #tpu.memory_space<semaphore_mem>>) src(%dma_wait3A_223 : memref<1048576x32xf32, #tpu.memory_space<hbm>>) dst(%arg6 : memref<128x32xf32, #tpu.memory_space<vmem>>)
    %dma_wait3A_224 = arith.constant 5 : i32
    %dma_wait3A_225 = arith.constant 0 : i32
    %dma_wait3A_226 = tpu.memref_slice %arg5[%dma_wait3A_224, %dma_wait3A_225] : memref<26x128xi32, #tpu.memory_space<vmem>> -> memref<1x128xi32, #tpu.memory_space<vmem>>
    %dma_wait3A_227 = tpu.memref_squeeze %dma_wait3A_226 : memref<1x128xi32, #tpu.memory_space<vmem>> -> memref<128xi32, #tpu.memory_space<vmem>>
    %dma_wait3A_228 = arith.constant 0 : i32
    %dma_wait3A_229 = arith.constant 0 : i32
    %dma_wait3A_230 = tpu.memref_slice %arg3[%dma_wait3A_228, %dma_wait3A_229] : memref<1048576x32xf32, #tpu.memory_space<hbm>> -> memref<1048576x32xf32, #tpu.memory_space<hbm>>
    tpu.wait_indirect_dma semaphore(%arg7 : memref<!tpu.dma_semaphore, #tpu.memory_space<semaphore_mem>>) src(%dma_wait3A_230 : memref<1048576x32xf32, #tpu.memory_space<hbm>>) dst(%arg6 : memref<128x32xf32, #tpu.memory_space<vmem>>)
    %dma_wait3A_231 = arith.constant 6 : i32
    %dma_wait3A_232 = arith.constant 0 : i32
    %dma_wait3A_233 = tpu.memref_slice %arg5[%dma_wait3A_231, %dma_wait3A_232] : memref<26x128xi32, #tpu.memory_space<vmem>> -> memref<1x128xi32, #tpu.memory_space<vmem>>
    %dma_wait3A_234 = tpu.memref_squeeze %dma_wait3A_233 : memref<1x128xi32, #tpu.memory_space<vmem>> -> memref<128xi32, #tpu.memory_space<vmem>>
    %dma_wait3A_235 = arith.constant 0 : i32
    %dma_wait3A_236 = arith.constant 0 : i32
    %dma_wait3A_237 = tpu.memref_slice %arg3[%dma_wait3A_235, %dma_wait3A_236] : memref<1048576x32xf32, #tpu.memory_space<hbm>> -> memref<1048576x32xf32, #tpu.memory_space<hbm>>
    tpu.wait_indirect_dma semaphore(%arg7 : memref<!tpu.dma_semaphore, #tpu.memory_space<semaphore_mem>>) src(%dma_wait3A_237 : memref<1048576x32xf32, #tpu.memory_space<hbm>>) dst(%arg6 : memref<128x32xf32, #tpu.memory_space<vmem>>)
    %dma_wait3A_238 = arith.constant 7 : i32
    %dma_wait3A_239 = arith.constant 0 : i32
    %dma_wait3A_240 = tpu.memref_slice %arg5[%dma_wait3A_238, %dma_wait3A_239] : memref<26x128xi32, #tpu.memory_space<vmem>> -> memref<1x128xi32, #tpu.memory_space<vmem>>
    %dma_wait3A_241 = tpu.memref_squeeze %dma_wait3A_240 : memref<1x128xi32, #tpu.memory_space<vmem>> -> memref<128xi32, #tpu.memory_space<vmem>>
    %dma_wait3A_242 = arith.constant 0 : i32
    %dma_wait3A_243 = arith.constant 0 : i32
    %dma_wait3A_244 = tpu.memref_slice %arg3[%dma_wait3A_242, %dma_wait3A_243] : memref<1048576x32xf32, #tpu.memory_space<hbm>> -> memref<1048576x32xf32, #tpu.memory_space<hbm>>
    tpu.wait_indirect_dma semaphore(%arg7 : memref<!tpu.dma_semaphore, #tpu.memory_space<semaphore_mem>>) src(%dma_wait3A_244 : memref<1048576x32xf32, #tpu.memory_space<hbm>>) dst(%arg6 : memref<128x32xf32, #tpu.memory_space<vmem>>)
    %dma_wait3A_245 = arith.constant 8 : i32
    %dma_wait3A_246 = arith.constant 0 : i32
    %dma_wait3A_247 = tpu.memref_slice %arg5[%dma_wait3A_245, %dma_wait3A_246] : memref<26x128xi32, #tpu.memory_space<vmem>> -> memref<1x128xi32, #tpu.memory_space<vmem>>
    %dma_wait3A_248 = tpu.memref_squeeze %dma_wait3A_247 : memref<1x128xi32, #tpu.memory_space<vmem>> -> memref<128xi32, #tpu.memory_space<vmem>>
    %dma_wait3A_249 = arith.constant 0 : i32
    %dma_wait3A_250 = arith.constant 0 : i32
    %dma_wait3A_251 = tpu.memref_slice %arg3[%dma_wait3A_249, %dma_wait3A_250] : memref<1048576x32xf32, #tpu.memory_space<hbm>> -> memref<1048576x32xf32, #tpu.memory_space<hbm>>
    tpu.wait_indirect_dma semaphore(%arg7 : memref<!tpu.dma_semaphore, #tpu.memory_space<semaphore_mem>>) src(%dma_wait3A_251 : memref<1048576x32xf32, #tpu.memory_space<hbm>>) dst(%arg6 : memref<128x32xf32, #tpu.memory_space<vmem>>)
    %dma_wait3A_252 = arith.constant 9 : i32
    %dma_wait3A_253 = arith.constant 0 : i32
    %dma_wait3A_254 = tpu.memref_slice %arg5[%dma_wait3A_252, %dma_wait3A_253] : memref<26x128xi32, #tpu.memory_space<vmem>> -> memref<1x128xi32, #tpu.memory_space<vmem>>
    %dma_wait3A_255 = tpu.memref_squeeze %dma_wait3A_254 : memref<1x128xi32, #tpu.memory_space<vmem>> -> memref<128xi32, #tpu.memory_space<vmem>>
    %dma_wait3A_256 = arith.constant 0 : i32
    %dma_wait3A_257 = arith.constant 0 : i32
    %dma_wait3A_258 = tpu.memref_slice %arg3[%dma_wait3A_256, %dma_wait3A_257] : memref<1048576x32xf32, #tpu.memory_space<hbm>> -> memref<1048576x32xf32, #tpu.memory_space<hbm>>
    tpu.wait_indirect_dma semaphore(%arg7 : memref<!tpu.dma_semaphore, #tpu.memory_space<semaphore_mem>>) src(%dma_wait3A_258 : memref<1048576x32xf32, #tpu.memory_space<hbm>>) dst(%arg6 : memref<128x32xf32, #tpu.memory_space<vmem>>)
    %dma_wait3A_259 = arith.constant 10 : i32
    %dma_wait3A_260 = arith.constant 0 : i32
    %dma_wait3A_261 = tpu.memref_slice %arg5[%dma_wait3A_259, %dma_wait3A_260] : memref<26x128xi32, #tpu.memory_space<vmem>> -> memref<1x128xi32, #tpu.memory_space<vmem>>
    %dma_wait3A_262 = tpu.memref_squeeze %dma_wait3A_261 : memref<1x128xi32, #tpu.memory_space<vmem>> -> memref<128xi32, #tpu.memory_space<vmem>>
    %dma_wait3A_263 = arith.constant 0 : i32
    %dma_wait3A_264 = arith.constant 0 : i32
    %dma_wait3A_265 = tpu.memref_slice %arg3[%dma_wait3A_263, %dma_wait3A_264] : memref<1048576x32xf32, #tpu.memory_space<hbm>> -> memref<1048576x32xf32, #tpu.memory_space<hbm>>
    tpu.wait_indirect_dma semaphore(%arg7 : memref<!tpu.dma_semaphore, #tpu.memory_space<semaphore_mem>>) src(%dma_wait3A_265 : memref<1048576x32xf32, #tpu.memory_space<hbm>>) dst(%arg6 : memref<128x32xf32, #tpu.memory_space<vmem>>)
    %dma_wait3A_266 = arith.constant 11 : i32
    %dma_wait3A_267 = arith.constant 0 : i32
    %dma_wait3A_268 = tpu.memref_slice %arg5[%dma_wait3A_266, %dma_wait3A_267] : memref<26x128xi32, #tpu.memory_space<vmem>> -> memref<1x128xi32, #tpu.memory_space<vmem>>
    %dma_wait3A_269 = tpu.memref_squeeze %dma_wait3A_268 : memref<1x128xi32, #tpu.memory_space<vmem>> -> memref<128xi32, #tpu.memory_space<vmem>>
    %dma_wait3A_270 = arith.constant 0 : i32
    %dma_wait3A_271 = arith.constant 0 : i32
    %dma_wait3A_272 = tpu.memref_slice %arg3[%dma_wait3A_270, %dma_wait3A_271] : memref<1048576x32xf32, #tpu.memory_space<hbm>> -> memref<1048576x32xf32, #tpu.memory_space<hbm>>
    tpu.wait_indirect_dma semaphore(%arg7 : memref<!tpu.dma_semaphore, #tpu.memory_space<semaphore_mem>>) src(%dma_wait3A_272 : memref<1048576x32xf32, #tpu.memory_space<hbm>>) dst(%arg6 : memref<128x32xf32, #tpu.memory_space<vmem>>)
    %dma_wait3A_273 = arith.constant 12 : i32
    %dma_wait3A_274 = arith.constant 0 : i32
    %dma_wait3A_275 = tpu.memref_slice %arg5[%dma_wait3A_273, %dma_wait3A_274] : memref<26x128xi32, #tpu.memory_space<vmem>> -> memref<1x128xi32, #tpu.memory_space<vmem>>
    %dma_wait3A_276 = tpu.memref_squeeze %dma_wait3A_275 : memref<1x128xi32, #tpu.memory_space<vmem>> -> memref<128xi32, #tpu.memory_space<vmem>>
    %dma_wait3A_277 = arith.constant 0 : i32
    %dma_wait3A_278 = arith.constant 0 : i32
    %dma_wait3A_279 = tpu.memref_slice %arg3[%dma_wait3A_277, %dma_wait3A_278] : memref<1048576x32xf32, #tpu.memory_space<hbm>> -> memref<1048576x32xf32, #tpu.memory_space<hbm>>
    tpu.wait_indirect_dma semaphore(%arg7 : memref<!tpu.dma_semaphore, #tpu.memory_space<semaphore_mem>>) src(%dma_wait3A_279 : memref<1048576x32xf32, #tpu.memory_space<hbm>>) dst(%arg6 : memref<128x32xf32, #tpu.memory_space<vmem>>)
    %dma_wait3A_280 = arith.constant 13 : i32
    %dma_wait3A_281 = arith.constant 0 : i32
    %dma_wait3A_282 = tpu.memref_slice %arg5[%dma_wait3A_280, %dma_wait3A_281] : memref<26x128xi32, #tpu.memory_space<vmem>> -> memref<1x128xi32, #tpu.memory_space<vmem>>
    %dma_wait3A_283 = tpu.memref_squeeze %dma_wait3A_282 : memref<1x128xi32, #tpu.memory_space<vmem>> -> memref<128xi32, #tpu.memory_space<vmem>>
    %dma_wait3A_284 = arith.constant 0 : i32
    %dma_wait3A_285 = arith.constant 0 : i32
    %dma_wait3A_286 = tpu.memref_slice %arg3[%dma_wait3A_284, %dma_wait3A_285] : memref<1048576x32xf32, #tpu.memory_space<hbm>> -> memref<1048576x32xf32, #tpu.memory_space<hbm>>
    tpu.wait_indirect_dma semaphore(%arg7 : memref<!tpu.dma_semaphore, #tpu.memory_space<semaphore_mem>>) src(%dma_wait3A_286 : memref<1048576x32xf32, #tpu.memory_space<hbm>>) dst(%arg6 : memref<128x32xf32, #tpu.memory_space<vmem>>)
    %dma_wait3A_287 = arith.constant 14 : i32
    %dma_wait3A_288 = arith.constant 0 : i32
    %dma_wait3A_289 = tpu.memref_slice %arg5[%dma_wait3A_287, %dma_wait3A_288] : memref<26x128xi32, #tpu.memory_space<vmem>> -> memref<1x128xi32, #tpu.memory_space<vmem>>
    %dma_wait3A_290 = tpu.memref_squeeze %dma_wait3A_289 : memref<1x128xi32, #tpu.memory_space<vmem>> -> memref<128xi32, #tpu.memory_space<vmem>>
    %dma_wait3A_291 = arith.constant 0 : i32
    %dma_wait3A_292 = arith.constant 0 : i32
    %dma_wait3A_293 = tpu.memref_slice %arg3[%dma_wait3A_291, %dma_wait3A_292] : memref<1048576x32xf32, #tpu.memory_space<hbm>> -> memref<1048576x32xf32, #tpu.memory_space<hbm>>
    tpu.wait_indirect_dma semaphore(%arg7 : memref<!tpu.dma_semaphore, #tpu.memory_space<semaphore_mem>>) src(%dma_wait3A_293 : memref<1048576x32xf32, #tpu.memory_space<hbm>>) dst(%arg6 : memref<128x32xf32, #tpu.memory_space<vmem>>)
    %dma_wait3A_294 = arith.constant 15 : i32
    %dma_wait3A_295 = arith.constant 0 : i32
    %dma_wait3A_296 = tpu.memref_slice %arg5[%dma_wait3A_294, %dma_wait3A_295] : memref<26x128xi32, #tpu.memory_space<vmem>> -> memref<1x128xi32, #tpu.memory_space<vmem>>
    %dma_wait3A_297 = tpu.memref_squeeze %dma_wait3A_296 : memref<1x128xi32, #tpu.memory_space<vmem>> -> memref<128xi32, #tpu.memory_space<vmem>>
    %dma_wait3A_298 = arith.constant 0 : i32
    %dma_wait3A_299 = arith.constant 0 : i32
    %dma_wait3A_300 = tpu.memref_slice %arg3[%dma_wait3A_298, %dma_wait3A_299] : memref<1048576x32xf32, #tpu.memory_space<hbm>> -> memref<1048576x32xf32, #tpu.memory_space<hbm>>
    tpu.wait_indirect_dma semaphore(%arg7 : memref<!tpu.dma_semaphore, #tpu.memory_space<semaphore_mem>>) src(%dma_wait3A_300 : memref<1048576x32xf32, #tpu.memory_space<hbm>>) dst(%arg6 : memref<128x32xf32, #tpu.memory_space<vmem>>)
    %dma_wait3A_301 = arith.constant 16 : i32
    %dma_wait3A_302 = arith.constant 0 : i32
    %dma_wait3A_303 = tpu.memref_slice %arg5[%dma_wait3A_301, %dma_wait3A_302] : memref<26x128xi32, #tpu.memory_space<vmem>> -> memref<1x128xi32, #tpu.memory_space<vmem>>
    %dma_wait3A_304 = tpu.memref_squeeze %dma_wait3A_303 : memref<1x128xi32, #tpu.memory_space<vmem>> -> memref<128xi32, #tpu.memory_space<vmem>>
    %dma_wait3A_305 = arith.constant 0 : i32
    %dma_wait3A_306 = arith.constant 0 : i32
    %dma_wait3A_307 = tpu.memref_slice %arg3[%dma_wait3A_305, %dma_wait3A_306] : memref<1048576x32xf32, #tpu.memory_space<hbm>> -> memref<1048576x32xf32, #tpu.memory_space<hbm>>
    tpu.wait_indirect_dma semaphore(%arg7 : memref<!tpu.dma_semaphore, #tpu.memory_space<semaphore_mem>>) src(%dma_wait3A_307 : memref<1048576x32xf32, #tpu.memory_space<hbm>>) dst(%arg6 : memref<128x32xf32, #tpu.memory_space<vmem>>)
    %dma_wait3A_308 = arith.constant 17 : i32
    %dma_wait3A_309 = arith.constant 0 : i32
    %dma_wait3A_310 = tpu.memref_slice %arg5[%dma_wait3A_308, %dma_wait3A_309] : memref<26x128xi32, #tpu.memory_space<vmem>> -> memref<1x128xi32, #tpu.memory_space<vmem>>
    %dma_wait3A_311 = tpu.memref_squeeze %dma_wait3A_310 : memref<1x128xi32, #tpu.memory_space<vmem>> -> memref<128xi32, #tpu.memory_space<vmem>>
    %dma_wait3A_312 = arith.constant 0 : i32
    %dma_wait3A_313 = arith.constant 0 : i32
    %dma_wait3A_314 = tpu.memref_slice %arg3[%dma_wait3A_312, %dma_wait3A_313] : memref<1048576x32xf32, #tpu.memory_space<hbm>> -> memref<1048576x32xf32, #tpu.memory_space<hbm>>
    tpu.wait_indirect_dma semaphore(%arg7 : memref<!tpu.dma_semaphore, #tpu.memory_space<semaphore_mem>>) src(%dma_wait3A_314 : memref<1048576x32xf32, #tpu.memory_space<hbm>>) dst(%arg6 : memref<128x32xf32, #tpu.memory_space<vmem>>)
    %dma_wait3A_315 = arith.constant 18 : i32
    %dma_wait3A_316 = arith.constant 0 : i32
    %dma_wait3A_317 = tpu.memref_slice %arg5[%dma_wait3A_315, %dma_wait3A_316] : memref<26x128xi32, #tpu.memory_space<vmem>> -> memref<1x128xi32, #tpu.memory_space<vmem>>
    %dma_wait3A_318 = tpu.memref_squeeze %dma_wait3A_317 : memref<1x128xi32, #tpu.memory_space<vmem>> -> memref<128xi32, #tpu.memory_space<vmem>>
    %dma_wait3A_319 = arith.constant 0 : i32
    %dma_wait3A_320 = arith.constant 0 : i32
    %dma_wait3A_321 = tpu.memref_slice %arg3[%dma_wait3A_319, %dma_wait3A_320] : memref<1048576x32xf32, #tpu.memory_space<hbm>> -> memref<1048576x32xf32, #tpu.memory_space<hbm>>
    tpu.wait_indirect_dma semaphore(%arg7 : memref<!tpu.dma_semaphore, #tpu.memory_space<semaphore_mem>>) src(%dma_wait3A_321 : memref<1048576x32xf32, #tpu.memory_space<hbm>>) dst(%arg6 : memref<128x32xf32, #tpu.memory_space<vmem>>)
    %dma_wait3A_322 = arith.constant 19 : i32
    %dma_wait3A_323 = arith.constant 0 : i32
    %dma_wait3A_324 = tpu.memref_slice %arg5[%dma_wait3A_322, %dma_wait3A_323] : memref<26x128xi32, #tpu.memory_space<vmem>> -> memref<1x128xi32, #tpu.memory_space<vmem>>
    %dma_wait3A_325 = tpu.memref_squeeze %dma_wait3A_324 : memref<1x128xi32, #tpu.memory_space<vmem>> -> memref<128xi32, #tpu.memory_space<vmem>>
    %dma_wait3A_326 = arith.constant 0 : i32
    %dma_wait3A_327 = arith.constant 0 : i32
    %dma_wait3A_328 = tpu.memref_slice %arg3[%dma_wait3A_326, %dma_wait3A_327] : memref<1048576x32xf32, #tpu.memory_space<hbm>> -> memref<1048576x32xf32, #tpu.memory_space<hbm>>
    tpu.wait_indirect_dma semaphore(%arg7 : memref<!tpu.dma_semaphore, #tpu.memory_space<semaphore_mem>>) src(%dma_wait3A_328 : memref<1048576x32xf32, #tpu.memory_space<hbm>>) dst(%arg6 : memref<128x32xf32, #tpu.memory_space<vmem>>)
    %dma_wait3A_329 = arith.constant 20 : i32
    %dma_wait3A_330 = arith.constant 0 : i32
    %dma_wait3A_331 = tpu.memref_slice %arg5[%dma_wait3A_329, %dma_wait3A_330] : memref<26x128xi32, #tpu.memory_space<vmem>> -> memref<1x128xi32, #tpu.memory_space<vmem>>
    %dma_wait3A_332 = tpu.memref_squeeze %dma_wait3A_331 : memref<1x128xi32, #tpu.memory_space<vmem>> -> memref<128xi32, #tpu.memory_space<vmem>>
    %dma_wait3A_333 = arith.constant 0 : i32
    %dma_wait3A_334 = arith.constant 0 : i32
    %dma_wait3A_335 = tpu.memref_slice %arg3[%dma_wait3A_333, %dma_wait3A_334] : memref<1048576x32xf32, #tpu.memory_space<hbm>> -> memref<1048576x32xf32, #tpu.memory_space<hbm>>
    tpu.wait_indirect_dma semaphore(%arg7 : memref<!tpu.dma_semaphore, #tpu.memory_space<semaphore_mem>>) src(%dma_wait3A_335 : memref<1048576x32xf32, #tpu.memory_space<hbm>>) dst(%arg6 : memref<128x32xf32, #tpu.memory_space<vmem>>)
    %dma_wait3A_336 = arith.constant 21 : i32
    %dma_wait3A_337 = arith.constant 0 : i32
    %dma_wait3A_338 = tpu.memref_slice %arg5[%dma_wait3A_336, %dma_wait3A_337] : memref<26x128xi32, #tpu.memory_space<vmem>> -> memref<1x128xi32, #tpu.memory_space<vmem>>
    %dma_wait3A_339 = tpu.memref_squeeze %dma_wait3A_338 : memref<1x128xi32, #tpu.memory_space<vmem>> -> memref<128xi32, #tpu.memory_space<vmem>>
    %dma_wait3A_340 = arith.constant 0 : i32
    %dma_wait3A_341 = arith.constant 0 : i32
    %dma_wait3A_342 = tpu.memref_slice %arg3[%dma_wait3A_340, %dma_wait3A_341] : memref<1048576x32xf32, #tpu.memory_space<hbm>> -> memref<1048576x32xf32, #tpu.memory_space<hbm>>
    tpu.wait_indirect_dma semaphore(%arg7 : memref<!tpu.dma_semaphore, #tpu.memory_space<semaphore_mem>>) src(%dma_wait3A_342 : memref<1048576x32xf32, #tpu.memory_space<hbm>>) dst(%arg6 : memref<128x32xf32, #tpu.memory_space<vmem>>)
    %dma_wait3A_343 = arith.constant 22 : i32
    %dma_wait3A_344 = arith.constant 0 : i32
    %dma_wait3A_345 = tpu.memref_slice %arg5[%dma_wait3A_343, %dma_wait3A_344] : memref<26x128xi32, #tpu.memory_space<vmem>> -> memref<1x128xi32, #tpu.memory_space<vmem>>
    %dma_wait3A_346 = tpu.memref_squeeze %dma_wait3A_345 : memref<1x128xi32, #tpu.memory_space<vmem>> -> memref<128xi32, #tpu.memory_space<vmem>>
    %dma_wait3A_347 = arith.constant 0 : i32
    %dma_wait3A_348 = arith.constant 0 : i32
    %dma_wait3A_349 = tpu.memref_slice %arg3[%dma_wait3A_347, %dma_wait3A_348] : memref<1048576x32xf32, #tpu.memory_space<hbm>> -> memref<1048576x32xf32, #tpu.memory_space<hbm>>
    tpu.wait_indirect_dma semaphore(%arg7 : memref<!tpu.dma_semaphore, #tpu.memory_space<semaphore_mem>>) src(%dma_wait3A_349 : memref<1048576x32xf32, #tpu.memory_space<hbm>>) dst(%arg6 : memref<128x32xf32, #tpu.memory_space<vmem>>)
    %dma_wait3A_350 = arith.constant 23 : i32
    %dma_wait3A_351 = arith.constant 0 : i32
    %dma_wait3A_352 = tpu.memref_slice %arg5[%dma_wait3A_350, %dma_wait3A_351] : memref<26x128xi32, #tpu.memory_space<vmem>> -> memref<1x128xi32, #tpu.memory_space<vmem>>
    %dma_wait3A_353 = tpu.memref_squeeze %dma_wait3A_352 : memref<1x128xi32, #tpu.memory_space<vmem>> -> memref<128xi32, #tpu.memory_space<vmem>>
    %dma_wait3A_354 = arith.constant 0 : i32
    %dma_wait3A_355 = arith.constant 0 : i32
    %dma_wait3A_356 = tpu.memref_slice %arg3[%dma_wait3A_354, %dma_wait3A_355] : memref<1048576x32xf32, #tpu.memory_space<hbm>> -> memref<1048576x32xf32, #tpu.memory_space<hbm>>
    tpu.wait_indirect_dma semaphore(%arg7 : memref<!tpu.dma_semaphore, #tpu.memory_space<semaphore_mem>>) src(%dma_wait3A_356 : memref<1048576x32xf32, #tpu.memory_space<hbm>>) dst(%arg6 : memref<128x32xf32, #tpu.memory_space<vmem>>)
    %dma_wait3A_357 = arith.constant 24 : i32
    %dma_wait3A_358 = arith.constant 0 : i32
    %dma_wait3A_359 = tpu.memref_slice %arg5[%dma_wait3A_357, %dma_wait3A_358] : memref<26x128xi32, #tpu.memory_space<vmem>> -> memref<1x128xi32, #tpu.memory_space<vmem>>
    %dma_wait3A_360 = tpu.memref_squeeze %dma_wait3A_359 : memref<1x128xi32, #tpu.memory_space<vmem>> -> memref<128xi32, #tpu.memory_space<vmem>>
    %dma_wait3A_361 = arith.constant 0 : i32
    %dma_wait3A_362 = arith.constant 0 : i32
    %dma_wait3A_363 = tpu.memref_slice %arg3[%dma_wait3A_361, %dma_wait3A_362] : memref<1048576x32xf32, #tpu.memory_space<hbm>> -> memref<1048576x32xf32, #tpu.memory_space<hbm>>
    tpu.wait_indirect_dma semaphore(%arg7 : memref<!tpu.dma_semaphore, #tpu.memory_space<semaphore_mem>>) src(%dma_wait3A_363 : memref<1048576x32xf32, #tpu.memory_space<hbm>>) dst(%arg6 : memref<128x32xf32, #tpu.memory_space<vmem>>)
    %dma_wait3A_364 = arith.constant 25 : i32
    %dma_wait3A_365 = arith.constant 0 : i32
    %dma_wait3A_366 = tpu.memref_slice %arg5[%dma_wait3A_364, %dma_wait3A_365] : memref<26x128xi32, #tpu.memory_space<vmem>> -> memref<1x128xi32, #tpu.memory_space<vmem>>
    %dma_wait3A_367 = tpu.memref_squeeze %dma_wait3A_366 : memref<1x128xi32, #tpu.memory_space<vmem>> -> memref<128xi32, #tpu.memory_space<vmem>>
    %dma_wait3A_368 = arith.constant 0 : i32
    %dma_wait3A_369 = arith.constant 0 : i32
    %dma_wait3A_370 = tpu.memref_slice %arg3[%dma_wait3A_368, %dma_wait3A_369] : memref<1048576x32xf32, #tpu.memory_space<hbm>> -> memref<1048576x32xf32, #tpu.memory_space<hbm>>
    tpu.wait_indirect_dma semaphore(%arg7 : memref<!tpu.dma_semaphore, #tpu.memory_space<semaphore_mem>>) src(%dma_wait3A_370 : memref<1048576x32xf32, #tpu.memory_space<hbm>>) dst(%arg6 : memref<128x32xf32, #tpu.memory_space<vmem>>)
    "tpu.region"() ({
      %run_scoped3A = tpu.sem_alloc : memref<!tpu.dma_semaphore, #tpu.memory_space<semaphore_mem>>
      %dma_start3A_371 = arith.constant 0 : i32
      %dma_start3A_372 = tpu.memref_slice %arg4[%mul3A_2, %dma_start3A_371] : memref<4096x32xf32, #tpu.memory_space<hbm>> -> memref<128x32xf32, #tpu.memory_space<hbm>>
      %dma_start3A_373 = arith.constant 0 : i32
      %dma_start3A_374 = tpu.memref_slice %arg4[%mul3A_2, %dma_start3A_373] : memref<4096x32xf32, #tpu.memory_space<hbm>> -> memref<128x32xf32, #tpu.memory_space<hbm>>
      tpu.enqueue_dma source(%arg6 : memref<128x32xf32, #tpu.memory_space<vmem>>) target(%dma_start3A_374 : memref<128x32xf32, #tpu.memory_space<hbm>>) target_semaphore(%run_scoped3A : memref<!tpu.dma_semaphore, #tpu.memory_space<semaphore_mem>>)
      %dma_wait3A_375 = arith.constant 0 : i32
      %dma_wait3A_376 = tpu.memref_slice %arg4[%mul3A_2, %dma_wait3A_375] : memref<4096x32xf32, #tpu.memory_space<hbm>> -> memref<128x32xf32, #tpu.memory_space<hbm>>
      %dma_wait3A_377 = arith.constant 0 : i32
      %dma_wait3A_378 = tpu.memref_slice %arg4[%mul3A_2, %dma_wait3A_377] : memref<4096x32xf32, #tpu.memory_space<hbm>> -> memref<128x32xf32, #tpu.memory_space<hbm>>
      tpu.wait_dma2 semaphore(%run_scoped3A : memref<!tpu.dma_semaphore, #tpu.memory_space<semaphore_mem>>) src(%arg6 : memref<128x32xf32, #tpu.memory_space<vmem>>) dst(%dma_wait3A_378 : memref<128x32xf32, #tpu.memory_space<hbm>>)
      tpu.yield
    }) : () -> ()
    return
  }
}

module attributes {stable_mosaic.version = 14 : i64} {
  func.func @_transpose_body(%arg0: i32, %arg1: memref<32x65536xf32, #tpu.memory_space<vmem>>, %arg2: memref<16384x128xf32, #tpu.memory_space<vmem>>) attributes {dimension_semantics = [#tpu.dimension_semantics<arbitrary>], iteration_bounds = array<i64: 16>, scalar_prefetch = 0 : i64, scratch_operands = 0 : i64, tpu.core_type = #tpu.core_type<tc>, window_params = [{transform_indices = @transform_0, window_bounds = array<i64: 32, 65536>}, {transform_indices = @transform_1, window_bounds = array<i64: 16384, 128>}]} {
    %get3A = arith.constant 0 : index
    %get3A_0 = arith.constant 0 : index
    %get3A_1 = vector.load %arg1[%get3A, %get3A_0] : memref<32x65536xf32, #tpu.memory_space<vmem>>, vector<32x16384xf32>
    %get3A_2 = arith.constant 0 : index
    %get3A_3 = arith.constant 16384 : index
    %get3A_4 = vector.load %arg1[%get3A_2, %get3A_3] : memref<32x65536xf32, #tpu.memory_space<vmem>>, vector<32x16384xf32>
    %get3A_5 = arith.constant 0 : index
    %get3A_6 = arith.constant 32768 : index
    %get3A_7 = vector.load %arg1[%get3A_5, %get3A_6] : memref<32x65536xf32, #tpu.memory_space<vmem>>, vector<32x16384xf32>
    %get3A_8 = arith.constant 0 : index
    %get3A_9 = arith.constant 49152 : index
    %get3A_10 = vector.load %arg1[%get3A_8, %get3A_9] : memref<32x65536xf32, #tpu.memory_space<vmem>>, vector<32x16384xf32>
    %concatenate3A = tpu.concatenate %get3A_1, %get3A_4, %get3A_7, %get3A_10 in 0 : vector<32x16384xf32>, vector<32x16384xf32>, vector<32x16384xf32>, vector<32x16384xf32> -> vector<128x16384xf32>
    %transpose3A = tpu.transpose %concatenate3A, [1, 0] : vector<128x16384xf32> -> vector<16384x128xf32>
    %swap3A = arith.constant 0 : index
    %swap3A_11 = arith.constant 0 : index
    %swap3A_12 = vector.load %arg2[%swap3A, %swap3A_11] : memref<16384x128xf32, #tpu.memory_space<vmem>>, vector<16384x128xf32>
    tpu.vector_store %arg2[%swap3A, %swap3A_11], %transpose3A {strides = array<i32>} : memref<16384x128xf32, #tpu.memory_space<vmem>>, vector<16384x128xf32>,
    return
  }
  func.func @transform_0(%arg0: i32) -> (i32, i32) {
    %c0_i32 = arith.constant 0 : i32
    %c0_i32_0 = arith.constant 0 : i32
    return %c0_i32, %arg0 : i32, i32
  }
  func.func @transform_1(%arg0: i32) -> (i32, i32) {
    %c0_i32 = arith.constant 0 : i32
    %c0_i32_0 = arith.constant 0 : i32
    return %arg0, %c0_i32 : i32, i32
  }
}

</mosaic_0001>

<sc_bundles>
// kernel: kernel.4.cloned.1.call-start
scs
__scs_entry_jumppad:
0x0: {  	(pc) =	sbr.rel $0x88, $3  }
0x1: {  	(tag) =	ssettag $0x0;
	lr =	simm.s32 $0x1  }
0x2: {  	[smem:$0x3F9F] =	sst lr;
	_ =	strace $0xD0000000  }
0x3: {  	_ = 	snop  }
0x4: {  	_ = 	snop  }
0x5: {  	_ = 	snop  }
0x6: {  	_ = 	snop  }
0x7: {  	_ = 	snop  }
__scs_overlays_trampoline_lowered:
0x8: {  	[smem:$0x3FAE] =	sst s0  }
0x9: {  	[smem:$0x3FAF] =	sst s1  }
0xa: {  	[smem:$0x3FB0] =	sst s2  }
0xb: {  	[smem:$0x3FB1] =	sst s3  }
0xc: {  	[smem:$0x3FB2] =	sst s4  }
0xd: {  	[smem:$0x3FB3] =	sst s5  }
0xe: {  	[smem:$0x3FB4] =	sst s6  }
0xf: {  	[smem:$0x3FB5] =	sst s7  }
0x10: {  	[smem:$0x3FB6] =	sst s8  }
0x11: {  	[smem:$0x3FB7] =	sst s9;
	s0 =	simm.s32 @!p0 $0x0  }
0x12: {  	s1 =	sld [smem:$0x3F9D];
	s0 =	simm.s32 @p0 $0x1  }
0x13: {  	[smem:$0x3FB8] =	sst s0;
	s0 =	simm.s32 @!p1 $0x0  }
0x14: {  	s2 =	sld [smem:$0x3F9C];
	s0 =	simm.s32 @p1 $0x1  }
0x15: {  	[smem:$0x3FB9] =	sst s0;
	s0 =	simm.s32 @!p2 $0x0  }
0x16: {  	s3 =	sld [smem:$0x3FDB];
	s0 =	simm.s32 @p2 $0x1  }
0x17: {  	s4 =	simm.s32 $0x1BF5;
	[smem:$0x3FBB] =	sst s0  }
0x18: {  	s0 =	sld [smem:$0x3F9E];
	_ =	swait.ge [sflag:s4], $0x0  }
0x19: {  	s7 =	sld [smem:$0x3F9F]  }
0x1a: {  	s8 =	sadd.s32 $0xFFFFE003, lr  }
0x1b: {  	s9 =	sadd.s32 $0xFFFFFEF7, lr;
	s5 =	simm.s32 $0xFFFFFFFF;
	p2 =	slt.u32 s8, $0xFFFFF086  }
0x1c: {  	p1 =	slt.u32 s9, $0xF7A;
	s5 =	simm.s32 @!p2 $0x0  }
0x1d: {  	s5 =	simm.s32 @p1 $0x1;
	p0 =	seq.s32 s7, s2  }
0x1e: {  	s7 =	smul.u32 @!p0 $0xF7A, s2;
	p2 =	seq.s32 @!p0 s5, $0x0  }
0x1f: {  	s9 =	smul.u32 $0xF7A, s1;
	s8 =	simm.s32 @!p0 $0x1BF5;
	p2 =	por !p2, p0  }
0x20: {  	[sflag:s8] =	ssyncset.s32 @!p0 $0xFFFFF086;
	s6 =	sadd.s32 @!p0 s3, s7;
	s7 =	simm.s32 @!p0 $0x108  }
0x21: {  	s3 =	sadd.s32 s3, s9;
	s6 =	sadd.s32 @!p0 $0x88, s6;
	s7 =	simm.s32 @p2 $0x1082  }
0x22: {  	[simem:s7], [sflag:s8] =	dma.local @!p0 [hbm:s6], $0xF7A  }
0x23: {  	s9 =	sor.u32 $0xD0000000, s2;
	s6 =	simm.s32 $0x108;
	_ =	swait.ge @!p0 [sflag:s8], $0x0  }
0x24: {  	s3 =	sadd.s32 $0x88, s3;
	s6 =	simm.s32 @!p1 $0x1082;
	[sflag:s4] =	ssyncset.s32 $0xFFFFF086  }
0x25: {  	[simem:s6], [sflag:s4] =	dma.local [hbm:s3], $0xF7A  }
0x26: {  	[smem:$0x3F9F] =	sst s1;
	(tag) =	ssettag s2;
	_ =	strace s9  }
0x27: {  	s1 =	sld [smem:$0x3FAF]  }
0x28: {  	s2 =	sld [smem:$0x3FB0]  }
0x29: {  	s4 =	sld [smem:$0x3FB2]  }
0x2a: {  	p0 =	seq.s32 s5, $0x0;
	s5 =	sld [smem:$0x3FB3]  }
0x2b: {  	s6 =	sld [smem:$0x3FB4]  }
0x2c: {  	s7 =	sld [smem:$0x3FB5]  }
0x2d: {  	s3 =	simm.s32 $0x108;
	s8 =	sld [smem:$0x3FB6]  }
0x2e: {  	s3 =	simm.s32 @!p0 $0x1082;
	s9 =	sld [smem:$0x3FB7]  }
0x2f: {  	lr =	sadd.s32 s0, s3;
	s0 =	sld [smem:$0x3FAE]  }
0x30: {  	s3 =	sld [smem:$0x3FB1]  }
0x31: {  	[smem:$0x3FBA] =	sst s10  }
0x32: {  	s10 =	sld [smem:$0x3FB8];
	_ =	sdelay $0x3  }
0x33: {  	p0 =	seq.s32 s10, $0x1;
	s10 =	sld [smem:$0x3FBA];
	_ =	sdelay $0x3  }
0x34: {  	[smem:$0x3FBA] =	sst s10  }
0x35: {  	s10 =	sld [smem:$0x3FB9];
	_ =	sdelay $0x3  }
0x36: {  	p1 =	seq.s32 s10, $0x1;
	s10 =	sld [smem:$0x3FBA];
	_ =	sdelay $0x3  }
0x37: {  	[smem:$0x3FBA] =	sst s10  }
0x38: {  	s10 =	sld [smem:$0x3FBB]  }
0x39: {  	_ = 	snop;
	(pc) =	sbr.ind lr, $3  }
0x3a: {  	_ = 	snop  }
0x3b: {  	_ = 	snop  }
0x3c: {  	p2 =	seq.s32 s10, $0x1;
	s10 =	sld [smem:$0x3FBA]  }
0x3d: {  	_ =	shalt  }
0x3e: {  	_ =	shalt  }
0x3f: {  	_ =	shalt  }
0x40: {  	_ =	shalt  }
0x41: {  	_ =	shalt  }
0x42: {  	_ =	shalt  }
0x43: {  	_ =	shalt  }
0x44: {  	_ =	shalt  }
0x45: {  	_ =	shalt  }
0x46: {  	_ =	shalt  }
0x47: {  	_ =	shalt  }
0x48: {  	_ =	shalt  }
0x49: {  	_ =	shalt  }
0x4a: {  	_ =	shalt  }
0x4b: {  	_ =	shalt  }
0x4c: {  	_ =	shalt  }
0x4d: {  	_ =	shalt  }
0x4e: {  	_ =	shalt  }
0x4f: {  	_ =	shalt  }
0x50: {  	_ =	shalt  }
0x51: {  	_ =	shalt  }
0x52: {  	_ =	shalt  }
0x53: {  	_ =	shalt  }
0x54: {  	_ =	shalt  }
0x55: {  	_ =	shalt  }
0x56: {  	_ =	shalt  }
0x57: {  	_ =	shalt  }
0x58: {  	_ =	shalt  }
0x59: {  	_ =	shalt  }
0x5a: {  	_ =	shalt  }
0x5b: {  	_ =	shalt  }
0x5c: {  	_ =	shalt  }
0x5d: {  	_ =	shalt  }
0x5e: {  	_ =	shalt  }
0x5f: {  	_ =	shalt  }
0x60: {  	_ =	shalt  }
0x61: {  	_ =	shalt  }
0x62: {  	_ =	shalt  }
0x63: {  	_ =	shalt  }
0x64: {  	_ =	shalt  }
0x65: {  	_ =	shalt  }
0x66: {  	_ =	shalt  }
0x67: {  	_ =	shalt  }
0x68: {  	_ =	shalt  }
0x69: {  	_ =	shalt  }
0x6a: {  	_ =	shalt  }
0x6b: {  	_ =	shalt  }
0x6c: {  	_ =	shalt  }
0x6d: {  	_ =	shalt  }
0x6e: {  	_ =	shalt  }
0x6f: {  	_ =	shalt  }
0x70: {  	_ =	shalt  }
0x71: {  	_ =	shalt  }
0x72: {  	_ =	shalt  }
0x73: {  	_ =	shalt  }
0x74: {  	_ =	shalt  }
0x75: {  	_ =	shalt  }
0x76: {  	_ =	shalt  }
0x77: {  	_ =	shalt  }
0x78: {  	_ =	shalt  }
0x79: {  	_ =	shalt  }
0x7a: {  	_ =	shalt  }
0x7b: {  	_ =	shalt  }
0x7c: {  	_ =	shalt  }
0x7d: {  	_ =	shalt  }
0x7e: {  	_ =	shalt  }
0x7f: {  	_ =	shalt  }
0x80: {  	_ =	shalt  }
0x81: {  	_ =	shalt  }
0x82: {  	_ =	shalt  }
0x83: {  	_ =	shalt  }
0x84: {  	_ =	shalt  }
0x85: {  	_ =	shalt  }
0x86: {  	_ =	shalt  }
0x87: {  	_ =	shalt  }
.Lfunc_end0:
.L_simem_size_0:
called_computation_lowered:
.L_overlay_start_0:
0x88: {  	s2 =	sld [smem:$0x3FD9]  }
0x89: {  	s3 =	sld [smem:$0x3FFE];
	_ =	sdelay $0x1  }
0x8a: {  	s1 =	srdreg.scid  }
0x8b: {  	s0 =	sand.u32 $0x1, s1  }
0x8c: {  	s17 =	sshll.u32 s0, $0xA;
	s2 =	sadd.s32 s3, s2  }
0x8d: {  	s2 =	sadd.s32 s2, s17  }
0x8e: {  	[smem:$0x3FC6] =	sst s2  }
0x8f: {  	_ = 	snop  }
0x90: {  	s2 =	sld [smem:$0x3FD0];
	(tm) =	ssettm $0x1  }
0x91: {  	s18 =	sld [smem:$0x3FFB];
	_ =	sdelay $0x3  }
0x92: {  	_ =	strace s18  }
0x93: {  	s3 =	sld [smem:$0x3FFC];
	_ =	sdelay $0x3  }
0x94: {  	_ =	strace s3  }
0x95: {  	s3 =	sld [smem:$0x3FFD];
	_ =	sdelay $0x3  }
0x96: {  	_ =	strace s3  }
0x97: {  	_ =	strace $0x8FFFFFFF  }
0x98: {  	s19 =	sld [smem:$0x3FDB];
	_ =	sdelay $0x1  }
0x99: {  	s4 =	simm.s32 $_scs_section_size  }
0x9a: {  	s5 =	simm.s32 $_size__tile_overlayer_lowered;
	s6 =	simm.s32 $_tile_overlayer_lowered  }
0x9b: {  	s22 =	simm.s32 $0x1BFF;
	s21 =	sshll.u32 s6, $0x1;
	s3 =	sadd.s32 s4, s19  }
0x9c: {  	s7 =	simm.s32 $0x0;
	s20 =	sshll.u32 s5, $0x1;
	s5 =	sadd.s32 s21, s3  }
0x9d: {  	[timem:s7], [sflag:s22] =	dma.local [hbm:s5], s20  }
0x9e: {  	_ =	swait.ge [sflag:s22], s20  }
0x9f: {  	s4 =	ssub.s32 $0x0, s20;
	[sflag:s22] =	ssyncset.done $0x0  }
0xa0: {  	[sflag:s22] =	ssyncadd.s32 s4;
	_ =	sdelay $0x1  }
0xa1: {  	s23 =	simm.s32 $0x1B8B  }
0xa2: {  	_ =	swait.ge [sflag:s23], $0x1  }
0xa3: {  	[sflag:s23] =	ssyncset.done $0x0  }
0xa4: {  	s25 =	simm.s32 $0x1B8E;
	s24 =	sld [smem:$0x3FFE];
	[sflag:s23] =	ssyncadd.s32 $0xFFFFFFFF  }
0xa5: {  	s26 =	simm.s32 $execute0_lowered;
	[smem:$0x3FD2] =	sst s25  }
0xa6: {  	s5 =	sshll.u32 s26, $0x1;
	_ =	strace $0x80000046;
	[dreg:$0x1] =	wrdreg $0xFFFFFFFF  }
0xa7: {  	s28 =	simm.s32 $_size_execute0_lowered;
	s3 =	sadd.s32 s3, s5;
	[dreg:$0x0] =	wrdreg $0x0  }
0xa8: {  	s5 =	sshll.u32 s28, $0x1;
	[dreg:$0x2] =	wrdreg s3  }
0xa9: {  	[dreg:$0x3] =	wrdreg s5  }
0xaa: {  	[dreg:$0x4] =	wrdreg $0xC0  }
0xab: {  	_ =	task [dreg:s7], $0x5FFFF  }
0xac: {  	[dreg:$0x1] =	wrdreg $0xFFFFFFFF  }
0xad: {  	[dreg:$0x0] =	wrdreg $0x60  }
0xae: {  	[dreg:$0x2] =	wrdreg s24  }
0xaf: {  	[dreg:$0x3] =	wrdreg s2  }
0xb0: {  	[dreg:$0x4] =	wrdreg $0x9  }
0xb1: {  	_ =	task.clear_ibuf [dreg:s7], $0x5FFFF;
	_ =	strace $0x90000046  }
0xb2: {  	s29 =	simm.s32 $0x9;
	_ =	strace $0x80000048  }
0xb3: {  	_ =	swait.ge [sflag:s29], $0x1  }
0xb4: {  	[sflag:s29] =	ssyncadd.s32 $0xFFFFFFFF  }
0xb5: {  	_ =	strace $0x90000048  }
0xb6: {  	_ =	sfence  }
0xb7: {  	s30 =	sld [smem:$0x0];
	_ =	sdelay $0x2  }
0xb8: {  	s31 =	sshll.u32 s1, $0xD;
	s1 =	sshrl.u32 s1, $0x2  }
0xb9: {  	s3 =	sand.u32 $0x4000, s31;
	s1 =	sadd.s32 s1, s30  }
0xba: {  	s0 =	sor.u32 s3, s0;
	s1 =	sshll.u32 s1, $0x11  }
0xbb: {  	s0 =	sor.u32 s1, s0  }
0xbc: {  	s0 =	sadd.s32 $0x8F2B, s0  }
0xbd: {  	[sflag:s0] =	ssyncadd.remote.s32 $0x1  }
0xbe: {  	_ =	sfence.sel $0xFFFF  }
0xbf: {  	[dreg:$0x0] =	wrdreg $0xFFFFFFFF;
	(pc) =	sbr.abs _section_cstart, $3  }
0xc0: {  	[dreg:$0x1] =	wrdreg $0xFFFFFFFF  }
0xc1: {  	_ =	task.clear_ibuf [dreg:s7], $0x2FFFF;
	_ =	strace $0x9FFFFFFF  }
0xc2: {  	(tm) =	ssettm $0x7FFFFFFF  }
0xc3: {  	_ =	shalt  }
tec
execute0_lowered:
.L_overlay_start_1:
0x0: {  	(tag) =	ssettag $0x1  }
0x1: {  	s0 =	srdreg.scid;
	s1 =	rddreg [dreg:$0x0]  }
0x2: {  	s2 =	stileid.u32;
	s5 =	rddreg [dreg:$0x1];
	s9 =	simm.s32 $0x2  }
0x3: {  	s10 =	simm.s32 $0xD00;
	s17 =	simm.s32 $0x400;
	s18 =	simm.s32 $0x480  }
0x4: {  	s19 =	simm.s32 $0x500;
	s20 =	simm.s32 $0x580;
	s21 =	simm.s32 $0x600  }
0x5: {  	s22 =	simm.s32 $0x680;
	s23 =	simm.s32 $0x700;
	s24 =	simm.s32 $0x780  }
0x6: {  	s25 =	simm.s32 $0x800;
	s28 =	simm.s32 $0x900;
	s29 =	simm.s32 $0x980  }
0x7: {  	s30 =	simm.s32 $0xA00;
	s31 =	simm.s32 $0xA80;
	s8 =	simm.s32 $0xC00  }
0x8: {  	s11 =	simm.s32 $0xC80;
	s12 =	simm.s32 $0x1;
	s13 =	simm.s32 $0x0  }
0x9: {  	s0 =	sand.u32 $0x1, s0;
	s3 =	sshll.u32 s2, $0x8;
	s2 =	simm.s32 $0x0  }
0xa: {  	s4 =	sshll.u32 s0, $0x7;
	[smem:$0x7FF] =	sst s2;
	s0 =	ssub.s32 $0x2, s0  }
0xb: {  	s4 =	sor.u32 s4, s3;
	_ =	strace $0x80000047;
	s7 =	sshrl.u32 s0, $0x1  }
0xc: {  	s3 =	sshrl.u32 s4, $0x3;
	s0 =	ssub.s32 s0, s7;
	s26 =	sshll.u32 s4, $0x2  }
0xd: {  	s7 =	simm.s32 $0x80;
	s6 =	sadd.s32 s3, s1;
	s3 =	sadd.s32 $0x3800, s1  }
0xe: {  	s5 =	sadd.s32 s5, s26;
	s26 =	simm.s32 $0x880;
	s1 =	simm.s32 $0xB00  }
0xf: {  	v0 =	vimm.f32 $0.0e+00;
	s4 =	sadd.s32 $0x400, s6;
	s6 =	smax.u32 s0, $0x1;
	s0 =	simm.s32 $0xB80  }
.LBB2_1:
0x10: {  	s14 =	simm.s32 $0x1000  }
0x11: {  	[tilespmem:s2], [sflag:$0x2] =	stream.strided.gather [hbm4b:s4+s7], $0xD00, s14, s7, $0x38;
	[tilespmem:$0x1D00] =	vst v63  }
0x12: {  	_ =	swait.ge [sflag:s9], $0xD00  }
0x13: {  	[sflag:s9] =	ssyncset.done $0x0  }
0x14: {  	s15 =	simm.s32 $0x0;
	s14 =	simm.s32 $0x80;
	[sflag:s9] =	ssyncadd.s32 $0xFFFFF300  }
.LBB2_2:
0x15: {  	p0 =	sne.s32 s14, $0x3F80;
	[tilespmem:s15+$0xD00] =	vst v0;
	s16 =	smov.u32 s14;
	s14 =	sadd.s32 $0x80, s14  }
.Ltmp0:
0x16: {  	[tilespmem:s15+$0xD10] =	vst v0;
	(pc) =	sbr.rel @p0 .LBB2_2-.Ltmp0, $2  }
0x17: {  	_ =	sdelay $0x2  }
0x18: {  	s15 =	sshra.s32 s16, $0x2  }
0x19: {  	[tilespmem:s15+$0xD00] =	vst v0  }
0x1a: {  	[tilespmem:s15+$0xD10] =	vst v0  }
0x1b: {  	[tilespmem:s10], [sflag:$0x1] =	stream.indirect.gather.add.f32 [hbm:s3], $0x20, s2, s7, $0xb8;
	[tilespmem:$0x1D00] =	vst v63  }
0x1c: {  	_ = 	snop  }
0x1d: {  	[tilespmem:s10], [sflag:$0x1] =	stream.indirect.gather.add.f32 [hbm:s3], $0x20, s7, s7, $0xb8;
	[tilespmem:$0x1D00] =	vst v63  }
0x1e: {  	s14 =	simm.s32 $0x100  }
0x1f: {  	[tilespmem:s10], [sflag:$0x1] =	stream.indirect.gather.add.f32 [hbm:s3], $0x20, s14, s7, $0xb8;
	[tilespmem:$0x1D00] =	vst v63  }
0x20: {  	s16 =	simm.s32 $0x180  }
0x21: {  	[tilespmem:s10], [sflag:$0x1] =	stream.indirect.gather.add.f32 [hbm:s3], $0x20, s16, s7, $0xb8;
	[tilespmem:$0x1D00] =	vst v63  }
0x22: {  	s15 =	simm.s32 $0x200  }
0x23: {  	[tilespmem:s10], [sflag:$0x1] =	stream.indirect.gather.add.f32 [hbm:s3], $0x20, s15, s7, $0xb8;
	[tilespmem:$0x1D00] =	vst v63  }
0x24: {  	s16 =	simm.s32 $0x280  }
0x25: {  	[tilespmem:s10], [sflag:$0x1] =	stream.indirect.gather.add.f32 [hbm:s3], $0x20, s16, s7, $0xb8;
	[tilespmem:$0x1D00] =	vst v63  }
0x26: {  	s15 =	simm.s32 $0x300  }
0x27: {  	[tilespmem:s10], [sflag:$0x1] =	stream.indirect.gather.add.f32 [hbm:s3], $0x20, s15, s7, $0xb8;
	[tilespmem:$0x1D00] =	vst v63  }
0x28: {  	s16 =	simm.s32 $0x380  }
0x29: {  	[tilespmem:s10], [sflag:$0x1] =	stream.indirect.gather.add.f32 [hbm:s3], $0x20, s16, s7, $0xb8;
	[tilespmem:$0x1D00] =	vst v63  }
0x2a: {  	_ = 	snop  }
0x2b: {  	[tilespmem:s10], [sflag:$0x1] =	stream.indirect.gather.add.f32 [hbm:s3], $0x20, s17, s7, $0xb8;
	[tilespmem:$0x1D00] =	vst v63  }
0x2c: {  	_ = 	snop  }
0x2d: {  	[tilespmem:s10], [sflag:$0x1] =	stream.indirect.gather.add.f32 [hbm:s3], $0x20, s18, s7, $0xb8;
	[tilespmem:$0x1D00] =	vst v63  }
0x2e: {  	_ = 	snop  }
0x2f: {  	[tilespmem:s10], [sflag:$0x1] =	stream.indirect.gather.add.f32 [hbm:s3], $0x20, s19, s7, $0xb8;
	[tilespmem:$0x1D00] =	vst v63  }
0x30: {  	_ = 	snop  }
0x31: {  	[tilespmem:s10], [sflag:$0x1] =	stream.indirect.gather.add.f32 [hbm:s3], $0x20, s20, s7, $0xb8;
	[tilespmem:$0x1D00] =	vst v63  }
0x32: {  	_ = 	snop  }
0x33: {  	[tilespmem:s10], [sflag:$0x1] =	stream.indirect.gather.add.f32 [hbm:s3], $0x20, s21, s7, $0xb8;
	[tilespmem:$0x1D00] =	vst v63  }
0x34: {  	_ = 	snop  }
0x35: {  	[tilespmem:s10], [sflag:$0x1] =	stream.indirect.gather.add.f32 [hbm:s3], $0x20, s22, s7, $0xb8;
	[tilespmem:$0x1D00] =	vst v63  }
0x36: {  	_ = 	snop  }
0x37: {  	[tilespmem:s10], [sflag:$0x1] =	stream.indirect.gather.add.f32 [hbm:s3], $0x20, s23, s7, $0xb8;
	[tilespmem:$0x1D00] =	vst v63  }
0x38: {  	_ = 	snop  }
0x39: {  	[tilespmem:s10], [sflag:$0x1] =	stream.indirect.gather.add.f32 [hbm:s3], $0x20, s24, s7, $0xb8;
	[tilespmem:$0x1D00] =	vst v63  }
0x3a: {  	_ = 	snop  }
0x3b: {  	[tilespmem:s10], [sflag:$0x1] =	stream.indirect.gather.add.f32 [hbm:s3], $0x20, s25, s7, $0xb8;
	[tilespmem:$0x1D00] =	vst v63  }
0x3c: {  	_ = 	snop  }
0x3d: {  	[tilespmem:s10], [sflag:$0x1] =	stream.indirect.gather.add.f32 [hbm:s3], $0x20, s26, s7, $0xb8;
	[tilespmem:$0x1D00] =	vst v63  }
0x3e: {  	_ = 	snop  }
0x3f: {  	[tilespmem:s10], [sflag:$0x1] =	stream.indirect.gather.add.f32 [hbm:s3], $0x20, s28, s7, $0xb8;
	[tilespmem:$0x1D00] =	vst v63  }
0x40: {  	_ = 	snop  }
0x41: {  	[tilespmem:s10], [sflag:$0x1] =	stream.indirect.gather.add.f32 [hbm:s3], $0x20, s29, s7, $0xb8;
	[tilespmem:$0x1D00] =	vst v63  }
0x42: {  	_ = 	snop  }
0x43: {  	[tilespmem:s10], [sflag:$0x1] =	stream.indirect.gather.add.f32 [hbm:s3], $0x20, s30, s7, $0xb8;
	[tilespmem:$0x1D00] =	vst v63  }
0x44: {  	_ = 	snop  }
0x45: {  	[tilespmem:s10], [sflag:$0x1] =	stream.indirect.gather.add.f32 [hbm:s3], $0x20, s31, s7, $0xb8;
	[tilespmem:$0x1D00] =	vst v63  }
0x46: {  	_ = 	snop  }
0x47: {  	[tilespmem:s10], [sflag:$0x1] =	stream.indirect.gather.add.f32 [hbm:s3], $0x20, s1, s7, $0xb8;
	[tilespmem:$0x1D00] =	vst v63  }
0x48: {  	_ = 	snop  }
0x49: {  	[tilespmem:s10], [sflag:$0x1] =	stream.indirect.gather.add.f32 [hbm:s3], $0x20, s0, s7, $0xb8;
	[tilespmem:$0x1D00] =	vst v63  }
0x4a: {  	_ = 	snop  }
0x4b: {  	[tilespmem:s10], [sflag:$0x1] =	stream.indirect.gather.add.f32 [hbm:s3], $0x20, s8, s7, $0xb8;
	[tilespmem:$0x1D00] =	vst v63  }
0x4c: {  	_ = 	snop  }
0x4d: {  	[tilespmem:s10], [sflag:$0x1] =	stream.indirect.gather.add.f32 [hbm:s3], $0x20, s11, s7, $0xb8;
	[tilespmem:$0x1D00] =	vst v63  }
0x4e: {  	_ =	swait.ge [sflag:s12], $0x1000  }
0x4f: {  	[sflag:s12] =	ssyncset.done $0x0  }
0x50: {  	[sflag:s12] =	ssyncadd.s32 $0xFFFFF000  }
0x51: {  	_ =	swait.ge [sflag:s12], $0x1000  }
0x52: {  	[sflag:s12] =	ssyncset.done $0x0  }
0x53: {  	[sflag:s12] =	ssyncadd.s32 $0xFFFFF000  }
0x54: {  	_ =	swait.ge [sflag:s12], $0x1000  }
0x55: {  	[sflag:s12] =	ssyncset.done $0x0  }
0x56: {  	[sflag:s12] =	ssyncadd.s32 $0xFFFFF000  }
0x57: {  	_ =	swait.ge [sflag:s12], $0x1000  }
0x58: {  	[sflag:s12] =	ssyncset.done $0x0  }
0x59: {  	[sflag:s12] =	ssyncadd.s32 $0xFFFFF000  }
0x5a: {  	_ =	swait.ge [sflag:s12], $0x1000  }
0x5b: {  	[sflag:s12] =	ssyncset.done $0x0  }
0x5c: {  	[sflag:s12] =	ssyncadd.s32 $0xFFFFF000  }
0x5d: {  	_ =	swait.ge [sflag:s12], $0x1000  }
0x5e: {  	[sflag:s12] =	ssyncset.done $0x0  }
0x5f: {  	[sflag:s12] =	ssyncadd.s32 $0xFFFFF000  }
0x60: {  	_ =	swait.ge [sflag:s12], $0x1000  }
0x61: {  	[sflag:s12] =	ssyncset.done $0x0  }
0x62: {  	[sflag:s12] =	ssyncadd.s32 $0xFFFFF000  }
0x63: {  	_ =	swait.ge [sflag:s12], $0x1000  }
0x64: {  	[sflag:s12] =	ssyncset.done $0x0  }
0x65: {  	[sflag:s12] =	ssyncadd.s32 $0xFFFFF000  }
0x66: {  	_ =	swait.ge [sflag:s12], $0x1000  }
0x67: {  	[sflag:s12] =	ssyncset.done $0x0  }
0x68: {  	[sflag:s12] =	ssyncadd.s32 $0xFFFFF000  }
0x69: {  	_ =	swait.ge [sflag:s12], $0x1000  }
0x6a: {  	[sflag:s12] =	ssyncset.done $0x0  }
0x6b: {  	[sflag:s12] =	ssyncadd.s32 $0xFFFFF000  }
0x6c: {  	_ =	swait.ge [sflag:s12], $0x1000  }
0x6d: {  	[sflag:s12] =	ssyncset.done $0x0  }
0x6e: {  	[sflag:s12] =	ssyncadd.s32 $0xFFFFF000  }
0x6f: {  	_ =	swait.ge [sflag:s12], $0x1000  }
0x70: {  	[sflag:s12] =	ssyncset.done $0x0  }
0x71: {  	[sflag:s12] =	ssyncadd.s32 $0xFFFFF000  }
0x72: {  	_ =	swait.ge [sflag:s12], $0x1000  }
0x73: {  	[sflag:s12] =	ssyncset.done $0x0  }
0x74: {  	[sflag:s12] =	ssyncadd.s32 $0xFFFFF000  }
0x75: {  	_ =	swait.ge [sflag:s12], $0x1000  }
0x76: {  	[sflag:s12] =	ssyncset.done $0x0  }
0x77: {  	[sflag:s12] =	ssyncadd.s32 $0xFFFFF000  }
0x78: {  	_ =	swait.ge [sflag:s12], $0x1000  }
0x79: {  	[sflag:s12] =	ssyncset.done $0x0  }
0x7a: {  	[sflag:s12] =	ssyncadd.s32 $0xFFFFF000  }
0x7b: {  	_ =	swait.ge [sflag:s12], $0x1000  }
0x7c: {  	[sflag:s12] =	ssyncset.done $0x0  }
0x7d: {  	[sflag:s12] =	ssyncadd.s32 $0xFFFFF000  }
0x7e: {  	_ =	swait.ge [sflag:s12], $0x1000  }
0x7f: {  	[sflag:s12] =	ssyncset.done $0x0  }
0x80: {  	[sflag:s12] =	ssyncadd.s32 $0xFFFFF000  }
0x81: {  	_ =	swait.ge [sflag:s12], $0x1000  }
0x82: {  	[sflag:s12] =	ssyncset.done $0x0  }
0x83: {  	[sflag:s12] =	ssyncadd.s32 $0xFFFFF000  }
0x84: {  	_ =	swait.ge [sflag:s12], $0x1000  }
0x85: {  	[sflag:s12] =	ssyncset.done $0x0  }
0x86: {  	[sflag:s12] =	ssyncadd.s32 $0xFFFFF000  }
0x87: {  	_ =	swait.ge [sflag:s12], $0x1000  }
0x88: {  	[sflag:s12] =	ssyncset.done $0x0  }
0x89: {  	[sflag:s12] =	ssyncadd.s32 $0xFFFFF000  }
0x8a: {  	_ =	swait.ge [sflag:s12], $0x1000  }
0x8b: {  	[sflag:s12] =	ssyncset.done $0x0  }
0x8c: {  	[sflag:s12] =	ssyncadd.s32 $0xFFFFF000  }
0x8d: {  	_ =	swait.ge [sflag:s12], $0x1000  }
0x8e: {  	[sflag:s12] =	ssyncset.done $0x0  }
0x8f: {  	[sflag:s12] =	ssyncadd.s32 $0xFFFFF000  }
0x90: {  	_ =	swait.ge [sflag:s12], $0x1000  }
0x91: {  	[sflag:s12] =	ssyncset.done $0x0  }
0x92: {  	[sflag:s12] =	ssyncadd.s32 $0xFFFFF000  }
0x93: {  	_ =	swait.ge [sflag:s12], $0x1000  }
0x94: {  	[sflag:s12] =	ssyncset.done $0x0  }
0x95: {  	[sflag:s12] =	ssyncadd.s32 $0xFFFFF000  }
0x96: {  	_ =	swait.ge [sflag:s12], $0x1000  }
0x97: {  	[sflag:s12] =	ssyncset.done $0x0  }
0x98: {  	[sflag:s12] =	ssyncadd.s32 $0xFFFFF000  }
0x99: {  	s13 =	sadd.s32 $0x1, s13;
	_ =	swait.ge [sflag:s12], $0x1000  }
0x9a: {  	p0 =	sne.s32 s13, s6;
	[sflag:s12] =	ssyncset.done $0x0  }
.Ltmp1:
0x9b: {  	[sflag:s12] =	ssyncadd.s32 $0xFFFFF000;
	(pc) =	sbr.rel @p0 .LBB2_1-.Ltmp1, $4  }
0x9c: {  	[hbm4b:s5+s2] =	stream.linear.scatter [tilespmem:s10], [sflag:$0x2], $0x1000, $0x38;
	[tilespmem:$0x1D00] =	vst v63  }
0x9d: {  	_ =	swait.ge [sflag:s9], $0x1000  }
0x9e: {  	[sflag:s9] =	ssyncset.done $0x0  }
0x9f: {  	[sflag:s9] =	ssyncadd.s32 $0xFFFFF000  }
0xa0: {  	_ =	sfence.sel $0x180000  }
0xa1: {  	[bflag:$0x0] =	sbarrier.arrive $0xFFFF  }
0xa2: {  	_ =	strace $0x90000047  }
0xa3: {  	s0 =	stileid.u32;
	[bflag:$0x2] =	sbarrier.arrive $0xFFFF  }
0xa4: {  	p0 =	sne.s32 s0, $0x0;
	s0 =	rddreg [dreg:$0x2]  }
0xa5: {  	s0 =	sadd.s32 @!p0 $0x100000, s0  }
0xa6: {  	[sflag:s0] =	ssyncadd.tile.s32 @!p0 $0x1;
	_ =	shalt  }
.Lfunc_end2:
_tile_overlayer_lowered:
.L_overlay_start_2:
0xa7: {  	(tag) =	ssettag $0x2  }
0xa8: {  	s0 =	rddreg [dreg:$0x0];
	s2 =	stileid.u32  }
0xa9: {  	s1 =	rddreg [dreg:$0x1];
	p0 =	sne.s32 s2, $0x0  }
0xaa: {  	s3 =	rddreg [dreg:$0x2];
	[bflag:$0x3] =	sbarrier.arrive $0xFFFF;
	s2 =	simm.s32 @!p0 $0x1C02  }
0xab: {  	[timem:s3], [sflag:s2] =	dma.local @!p0 [hbm:s0], s1  }
0xac: {  	s0 =	simm.s32 @!p0 $0x2  }
0xad: {  	_ =	swait.ge @!p0 [sflag:s0], s1  }
0xae: {  	s1 =	ssub.s32 @!p0 $0x0, s1;
	[sflag:s0] =	ssyncset.done @!p0 $0x0  }
0xaf: {  	[sflag:s0] =	ssyncadd.s32 @!p0 s1  }
0xb0: {  	[bflag:$0x3] =	sbarrier.arrive $0xFFFF  }
0xb1: {  	_ =	shalt  }

</sc_bundles>
